<compile_context>
chip_gen: v7x
topology: tpu7x:2x2x1
jax: 0.10.2.dev20260603
libtpu: 0.0.44.dev20260713+nightly
codegen_flags: <defaults>
</compile_context>

<pallas_src>
import jax
import jax.numpy as jnp
from jax import lax
from jax.experimental import pallas as pl
from jax.experimental.pallas import tpu as pltpu
from jax.experimental.pallas import tpu_sc as plsc

N = 10000
NP = 10240
E = 320000
D = 128
NC = 2
NS = 16
NW = NC * NS
EPW = E // NW
CHUNK = 80
NCHUNK = EPW // CHUNK
GCHUNK = 128
HC = 40
NGC = 2 * HC
EPWP = NGC * GCHUNK
ROWS_PT = NP // NS
DEG_W = 128
BR = 1000
GRID = N // BR
DEG_WIN = 8

_MESH = plsc.VectorSubcoreMesh(
    core_axis_name="c", subcore_axis_name="s", num_cores=NC, num_subcores=NS)


def _deg_body(col_hbm, ones_hbm, zeros_hbm, deg_out, col_v, ones_v, acc, dsem):
    cid = lax.axis_index("c")
    sid = lax.axis_index("s")
    wid = cid * NS + sid
    pltpu.sync_copy(zeros_hbm, acc.at[pl.ds(sid * ROWS_PT, ROWS_PT)])
    pltpu.sync_copy(col_hbm.at[wid], col_v)
    pltpu.sync_copy(ones_hbm, ones_v)
    plsc.subcore_barrier()

    def scat(j):
        pltpu.async_copy(ones_v, acc.at[col_v.at[j]], dsem, add=True)

    def drain():
        pltpu.make_async_copy(ones_v, acc.at[col_v.at[0]], dsem).wait()

    for j in range(DEG_WIN):
        scat(j)

    def body(j, carry):
        drain()
        scat(j)
        return carry

    lax.fori_loop(DEG_WIN, NCHUNK, body, 0)
    for _ in range(DEG_WIN):
        drain()
    plsc.subcore_barrier()
    sl = pl.ds(sid * ROWS_PT, ROWS_PT)
    pltpu.sync_copy(acc.at[sl], deg_out.at[cid, sl])


_DEG_SCRATCH = [
    pltpu.VMEM((NCHUNK, CHUNK), jnp.int32),
    pltpu.VMEM((CHUNK, DEG_W), jnp.float32),
    pltpu.VMEM_SHARED((NP, DEG_W), jnp.float32),
    pltpu.SemaphoreType.DMA,
]
_deg_kernel = pl.kernel(
    _deg_body,
    out_type=jax.ShapeDtypeStruct((NC, NP, DEG_W), jnp.float32),
    mesh=_MESH,
    scratch_types=_DEG_SCRATCH,
)


def _scatter_body(row_hbm, col_hbm, h2_hbm, zeros_hbm, out_hbm,
                  ridx, cidx, bufs, acc, g0, g1, s0, s1):
    cid = lax.axis_index("c")
    sid = lax.axis_index("s")
    wid = cid * NS + sid
    gsem = (g0, g1)
    ssem = (s0, s1)

    def gather(j, b):
        pltpu.async_copy(h2_hbm.at[ridx.at[j]], bufs.at[b], gsem[b])

    def gather_wait(j, b):
        pltpu.make_async_copy(h2_hbm.at[ridx.at[j]], bufs.at[b],
                              gsem[b]).wait()

    def scat(j, b):
        pltpu.async_copy(bufs.at[b], acc.at[cidx.at[j]], ssem[b], add=True)

    def scat_wait(j, b):
        pltpu.make_async_copy(bufs.at[b], acc.at[cidx.at[j]], ssem[b]).wait()

    def step(j, b):
        nb = 1 - b
        gather_wait(j, b)

        @pl.when(j >= 1)
        def _():
            scat_wait(j - 1, nb)

        @pl.when(j + 1 < HC)
        def _():
            gather(j + 1, nb)
        scat(j, b)

    def do_half(h):
        pltpu.sync_copy(row_hbm.at[wid, h], ridx)
        pltpu.sync_copy(col_hbm.at[wid, h], cidx)
        gather(0, 0)

        def body(j, carry):
            @pl.when(j % 2 == 0)
            def _():
                step(j, 0)

            @pl.when(j % 2 == 1)
            def _():
                step(j, 1)
            return carry

        lax.fori_loop(0, HC, body, 0)
        scat_wait(HC - 1, (HC - 1) % 2)

    pltpu.sync_copy(zeros_hbm, acc.at[pl.ds(sid * ROWS_PT, ROWS_PT)])
    plsc.subcore_barrier()
    do_half(0)
    do_half(1)
    plsc.subcore_barrier()
    sl = pl.ds(sid * ROWS_PT, ROWS_PT)
    pltpu.sync_copy(acc.at[sl], out_hbm.at[cid, sl])


_SCAT_SCRATCH = [
    pltpu.VMEM((HC, GCHUNK), jnp.int32),
    pltpu.VMEM((HC, GCHUNK), jnp.int32),
    pltpu.VMEM((2, GCHUNK, D), jnp.float32),
    pltpu.VMEM_SHARED((NP, D), jnp.float32),
    pltpu.SemaphoreType.DMA,
    pltpu.SemaphoreType.DMA,
    pltpu.SemaphoreType.DMA,
    pltpu.SemaphoreType.DMA,
]
_scatter_kernel = pl.kernel(
    _scatter_body,
    out_type=jax.ShapeDtypeStruct((NC, NP, D), jnp.float32),
    mesh=_MESH,
    scratch_types=_SCAT_SCRATCH,
)


def _mm_body(x_ref, wt_ref, degp_ref, h2_ref, dis_ref):
    h = jnp.dot(x_ref[...], wt_ref[...], preferred_element_type=jnp.float32)
    d = degp_ref[0] + degp_ref[1]
    dis = jnp.where(d > 0.0, lax.rsqrt(d), 0.0)[:, 0:1]
    h2_ref[...] = h * dis
    dis_ref[...] = dis


_mm_call = pl.pallas_call(
    _mm_body,
    grid=(GRID,),
    in_specs=[
        pl.BlockSpec((BR, D), lambda i: (i, 0)),
        pl.BlockSpec((D, D), lambda i: (0, 0)),
        pl.BlockSpec((NC, BR, DEG_W), lambda i: (0, i, 0)),
    ],
    out_specs=[
        pl.BlockSpec((BR, D), lambda i: (i, 0)),
        pl.BlockSpec((BR, 1), lambda i: (i, 0)),
    ],
    out_shape=[
        jax.ShapeDtypeStruct((N, D), jnp.float32),
        jax.ShapeDtypeStruct((N, 1), jnp.float32),
    ],
)


def _comb_body(p_ref, dis_ref, o_ref):
    o_ref[...] = (p_ref[0] + p_ref[1]) * dis_ref[...]


_comb_call = pl.pallas_call(
    _comb_body,
    grid=(GRID,),
    in_specs=[
        pl.BlockSpec((NC, BR, D), lambda i: (0, i, 0)),
        pl.BlockSpec((BR, 1), lambda i: (i, 0)),
    ],
    out_specs=pl.BlockSpec((BR, D), lambda i: (i, 0)),
    out_shape=jax.ShapeDtypeStruct((N, D), jnp.float32),
)


def kernel(x, edge_index, W):
    half = D // 2
    w2t = jnp.concatenate([-W[half:], W[:half]], axis=0).T
    ei = edge_index.astype(jnp.int32)
    col3 = ei[1].reshape(NW, NCHUNK, CHUNK)
    arange_pad = jnp.arange(EPWP - EPW, dtype=jnp.int32)
    dummy_col = jnp.broadcast_to(N + arange_pad % (NP - N), (NW, EPWP - EPW))
    dummy_row = jnp.broadcast_to(arange_pad * 41 % N, (NW, EPWP - EPW))
    row4 = jnp.concatenate([ei[0].reshape(NW, EPW), dummy_row],
                           axis=1).reshape(NW, 2, HC, GCHUNK)
    col4 = jnp.concatenate([ei[1].reshape(NW, EPW), dummy_col],
                           axis=1).reshape(NW, 2, HC, GCHUNK)
    ones_h = jnp.ones((CHUNK, DEG_W), jnp.float32)
    zeros_deg = jnp.zeros((ROWS_PT, DEG_W), jnp.float32)
    zeros_row = jnp.zeros((ROWS_PT, D), jnp.float32)

    degp = _deg_kernel(col3, ones_h, zeros_deg)
    h2, dis = _mm_call(x, w2t, degp)
    partials = _scatter_kernel(row4, col4, h2, zeros_row)
    return _comb_call(partials, dis)

# --- scband reference (transcript-rebuilt; emitter-appended) ---
"""Pipeline reference for scband-ortho-conv-15779709845910 (READ-ONLY COPY).

The authoritative reference and input builder live on the scoring server;
editing this copy changes nothing except your own understanding.
"""

import jax, jax.numpy as jnp
import numpy as np

N_NODES = 10000
N_EDGES = 320000
D_IN = 128
D_OUT = 128

def setup_inputs(seed: int = 0) -> dict:
    key = jax.random.key(seed)
    k1, k2, k3 = jax.random.split(key, 3)
    x = jax.random.normal(k1, (N_NODES, D_IN), dtype=jnp.float32)
    edge_index = jax.random.randint(k2, (2, N_EDGES), 0, N_NODES, dtype=jnp.int64)
    # lin weight (torch Linear: [out_channels, in_channels], no bias)
    bound = 1.0 / np.sqrt(D_IN)
    W = jax.random.uniform(k3, (D_OUT, D_IN), dtype=jnp.float32, minval=-bound, maxval=bound)
    return {"x": x, "edge_index": edge_index, "W": W}

def reference(x, edge_index, W):
    # feature transform
    h = x @ W.T
    row = edge_index[0]
    col = edge_index[1]
    # gcn_norm with add_self_loops=False, edge_weight=None (ones), flow source_to_target
    ones = jnp.ones((edge_index.shape[1],), dtype=h.dtype)
    deg = jax.ops.segment_sum(ones, col, num_segments=N_NODES)
    deg_inv_sqrt = jnp.where(deg > 0, deg ** -0.5, 0.0)
    edge_weight = deg_inv_sqrt[row] * deg_inv_sqrt[col]
    # message + aggregate (scatter-add at target nodes)
    msg = h[row] * edge_weight[:, None]
    out = jnp.zeros((N_NODES, D_OUT), dtype=h.dtype).at[col].add(msg)
    # complex-to-real trick: multiplier [+1]*half, [-1]*half, then roll by half
    half = D_OUT // 2
    multiplier = jnp.concatenate([jnp.ones((half,), dtype=h.dtype), -jnp.ones((half,), dtype=h.dtype)])[None, :]
    out = out * multiplier
    out = jnp.roll(out, half, axis=-1)
    return out

if __name__ == "__main__":
    import jax
    _d = setup_inputs()
    print(jax.jit(kernel)(*tuple(_d.values())))

</pallas_src>

<mosaic_0001>
#map = affine_map<(d0, d1) -> (0, 0, 0, 0)>
#map1 = affine_map<(d0, d1) -> (0, 0)>
#map2 = affine_map<(d0, d1) -> (0, 0, 0)>
module attributes {stable_mosaic.version = 14 : i64} {
  func.func @_scatter_body(%arg0: i32, %arg1: i32, %arg2: memref<32x2x40x128xi32, #tpu.memory_space<hbm>>, %arg3: memref<32x2x40x128xi32, #tpu.memory_space<hbm>>, %arg4: memref<10000x128xf32, #tpu.memory_space<hbm>>, %arg5: memref<640x128xf32, #tpu.memory_space<hbm>>, %arg6: memref<2x10240x128xf32, #tpu.memory_space<hbm>>, %arg7: memref<40x128xi32, #tpu.memory_space<vmem>>, %arg8: memref<40x128xi32, #tpu.memory_space<vmem>>, %arg9: memref<2x128x128xf32, #tpu.memory_space<vmem>>, %arg10: memref<10240x128xf32, #tpu.memory_space<vmem_shared>>, %arg11: memref<!tpu.dma_semaphore, #tpu.memory_space<semaphore_mem>>, %arg12: memref<!tpu.dma_semaphore, #tpu.memory_space<semaphore_mem>>, %arg13: memref<!tpu.dma_semaphore, #tpu.memory_space<semaphore_mem>>, %arg14: memref<!tpu.dma_semaphore, #tpu.memory_space<semaphore_mem>>) attributes {dimension_semantics = [#tpu.dimension_semantics<core_parallel>, #tpu.dimension_semantics<subcore_parallel>], iteration_bounds = array<i64: 2, 16>, scalar_prefetch = 0 : i64, scratch_operands = 8 : i64, tpu.core_type = #tpu.core_type<sc_vector_subcore>, window_params = [{transform_indices = #map}, {transform_indices = #map}, {transform_indices = #map1}, {transform_indices = #map1}, {transform_indices = #map2}]} {
    %mul3A = arith.constant 16 : i32
    %mul3A_0 = arith.muli %arg0, %mul3A : i32
    %add3A = arith.addi %mul3A_0, %arg1 : i32
    %mul3A_1 = arith.constant 640 : i32
    %mul3A_2 = arith.muli %arg1, %mul3A_1 : i32
    "tpu.region"() ({
      %run_scoped3A_66 = tpu.sem_alloc : memref<!tpu.dma_semaphore, #tpu.memory_space<semaphore_mem>>
      %dma_start3A_67 = arith.constant 0 : i32
      %dma_start3A_68 = tpu.memref_slice %arg10[%mul3A_2, %dma_start3A_67] : memref<10240x128xf32, #tpu.memory_space<vmem_shared>> -> memref<640x128xf32, #tpu.memory_space<vmem_shared>>
      tpu.enqueue_dma source(%arg5 : memref<640x128xf32, #tpu.memory_space<hbm>>) target(%dma_start3A_68 : memref<640x128xf32, #tpu.memory_space<vmem_shared>>) target_semaphore(%run_scoped3A_66 : memref<!tpu.dma_semaphore, #tpu.memory_space<semaphore_mem>>)
      %dma_wait3A_69 = arith.constant 0 : i32
      %dma_wait3A_70 = tpu.memref_slice %arg10[%mul3A_2, %dma_wait3A_69] : memref<10240x128xf32, #tpu.memory_space<vmem_shared>> -> memref<640x128xf32, #tpu.memory_space<vmem_shared>>
      tpu.wait_dma2 semaphore(%run_scoped3A_66 : memref<!tpu.dma_semaphore, #tpu.memory_space<semaphore_mem>>) src(%arg5 : memref<640x128xf32, #tpu.memory_space<hbm>>) dst(%dma_wait3A_70 : memref<640x128xf32, #tpu.memory_space<vmem_shared>>)
      tpu.yield
    }) : () -> ()
    %barrier3A = arith.constant 0 : index
    tpu.barrier barrier_id(%barrier3A)
    %run_scoped3A = arith.constant 0 : i32
    "tpu.region"() ({
      %run_scoped3A_66 = tpu.sem_alloc : memref<!tpu.dma_semaphore, #tpu.memory_space<semaphore_mem>>
      %dma_start3A_67 = arith.constant 0 : i32
      %dma_start3A_68 = arith.constant 0 : i32
      %dma_start3A_69 = tpu.memref_slice %arg2[%add3A, %run_scoped3A, %dma_start3A_67, %dma_start3A_68] : memref<32x2x40x128xi32, #tpu.memory_space<hbm>> -> memref<1x1x40x128xi32, #tpu.memory_space<hbm>>
      %dma_start3A_70 = tpu.memref_squeeze %dma_start3A_69 : memref<1x1x40x128xi32, #tpu.memory_space<hbm>> -> memref<40x128xi32, #tpu.memory_space<hbm>>
      %dma_start3A_71 = arith.constant 0 : i32
      %dma_start3A_72 = arith.constant 0 : i32
      %dma_start3A_73 = tpu.memref_slice %arg2[%add3A, %run_scoped3A, %dma_start3A_71, %dma_start3A_72] : memref<32x2x40x128xi32, #tpu.memory_space<hbm>> -> memref<1x1x40x128xi32, #tpu.memory_space<hbm>>
      %dma_start3A_74 = tpu.memref_squeeze %dma_start3A_73 : memref<1x1x40x128xi32, #tpu.memory_space<hbm>> -> memref<40x128xi32, #tpu.memory_space<hbm>>
      tpu.enqueue_dma source(%dma_start3A_74 : memref<40x128xi32, #tpu.memory_space<hbm>>) target(%arg7 : memref<40x128xi32, #tpu.memory_space<vmem>>) target_semaphore(%run_scoped3A_66 : memref<!tpu.dma_semaphore, #tpu.memory_space<semaphore_mem>>)
      %dma_wait3A_75 = arith.constant 0 : i32
      %dma_wait3A_76 = arith.constant 0 : i32
      %dma_wait3A_77 = tpu.memref_slice %arg2[%add3A, %run_scoped3A, %dma_wait3A_75, %dma_wait3A_76] : memref<32x2x40x128xi32, #tpu.memory_space<hbm>> -> memref<1x1x40x128xi32, #tpu.memory_space<hbm>>
      %dma_wait3A_78 = tpu.memref_squeeze %dma_wait3A_77 : memref<1x1x40x128xi32, #tpu.memory_space<hbm>> -> memref<40x128xi32, #tpu.memory_space<hbm>>
      %dma_wait3A_79 = arith.constant 0 : i32
      %dma_wait3A_80 = arith.constant 0 : i32
      %dma_wait3A_81 = tpu.memref_slice %arg2[%add3A, %run_scoped3A, %dma_wait3A_79, %dma_wait3A_80] : memref<32x2x40x128xi32, #tpu.memory_space<hbm>> -> memref<1x1x40x128xi32, #tpu.memory_space<hbm>>
      %dma_wait3A_82 = tpu.memref_squeeze %dma_wait3A_81 : memref<1x1x40x128xi32, #tpu.memory_space<hbm>> -> memref<40x128xi32, #tpu.memory_space<hbm>>
      tpu.wait_dma2 semaphore(%run_scoped3A_66 : memref<!tpu.dma_semaphore, #tpu.memory_space<semaphore_mem>>) src(%dma_wait3A_82 : memref<40x128xi32, #tpu.memory_space<hbm>>) dst(%arg7 : memref<40x128xi32, #tpu.memory_space<vmem>>)
      tpu.yield
    }) : () -> ()
    %run_scoped3A_3 = arith.constant 0 : i32
    "tpu.region"() ({
      %run_scoped3A_66 = tpu.sem_alloc : memref<!tpu.dma_semaphore, #tpu.memory_space<semaphore_mem>>
      %dma_start3A_67 = arith.constant 0 : i32
      %dma_start3A_68 = arith.constant 0 : i32
      %dma_start3A_69 = tpu.memref_slice %arg3[%add3A, %run_scoped3A_3, %dma_start3A_67, %dma_start3A_68] : memref<32x2x40x128xi32, #tpu.memory_space<hbm>> -> memref<1x1x40x128xi32, #tpu.memory_space<hbm>>
      %dma_start3A_70 = tpu.memref_squeeze %dma_start3A_69 : memref<1x1x40x128xi32, #tpu.memory_space<hbm>> -> memref<40x128xi32, #tpu.memory_space<hbm>>
      %dma_start3A_71 = arith.constant 0 : i32
      %dma_start3A_72 = arith.constant 0 : i32
      %dma_start3A_73 = tpu.memref_slice %arg3[%add3A, %run_scoped3A_3, %dma_start3A_71, %dma_start3A_72] : memref<32x2x40x128xi32, #tpu.memory_space<hbm>> -> memref<1x1x40x128xi32, #tpu.memory_space<hbm>>
      %dma_start3A_74 = tpu.memref_squeeze %dma_start3A_73 : memref<1x1x40x128xi32, #tpu.memory_space<hbm>> -> memref<40x128xi32, #tpu.memory_space<hbm>>
      tpu.enqueue_dma source(%dma_start3A_74 : memref<40x128xi32, #tpu.memory_space<hbm>>) target(%arg8 : memref<40x128xi32, #tpu.memory_space<vmem>>) target_semaphore(%run_scoped3A_66 : memref<!tpu.dma_semaphore, #tpu.memory_space<semaphore_mem>>)
      %dma_wait3A_75 = arith.constant 0 : i32
      %dma_wait3A_76 = arith.constant 0 : i32
      %dma_wait3A_77 = tpu.memref_slice %arg3[%add3A, %run_scoped3A_3, %dma_wait3A_75, %dma_wait3A_76] : memref<32x2x40x128xi32, #tpu.memory_space<hbm>> -> memref<1x1x40x128xi32, #tpu.memory_space<hbm>>
      %dma_wait3A_78 = tpu.memref_squeeze %dma_wait3A_77 : memref<1x1x40x128xi32, #tpu.memory_space<hbm>> -> memref<40x128xi32, #tpu.memory_space<hbm>>
      %dma_wait3A_79 = arith.constant 0 : i32
      %dma_wait3A_80 = arith.constant 0 : i32
      %dma_wait3A_81 = tpu.memref_slice %arg3[%add3A, %run_scoped3A_3, %dma_wait3A_79, %dma_wait3A_80] : memref<32x2x40x128xi32, #tpu.memory_space<hbm>> -> memref<1x1x40x128xi32, #tpu.memory_space<hbm>>
      %dma_wait3A_82 = tpu.memref_squeeze %dma_wait3A_81 : memref<1x1x40x128xi32, #tpu.memory_space<hbm>> -> memref<40x128xi32, #tpu.memory_space<hbm>>
      tpu.wait_dma2 semaphore(%run_scoped3A_66 : memref<!tpu.dma_semaphore, #tpu.memory_space<semaphore_mem>>) src(%dma_wait3A_82 : memref<40x128xi32, #tpu.memory_space<hbm>>) dst(%arg8 : memref<40x128xi32, #tpu.memory_space<vmem>>)
      tpu.yield
    }) : () -> ()
    %dma_start3A = arith.constant 0 : i32
    %dma_start3A_4 = arith.constant 0 : i32
    %dma_start3A_5 = arith.constant 0 : i32
    %dma_start3A_6 = arith.constant 0 : i32
    %dma_start3A_7 = tpu.memref_slice %arg9[%dma_start3A_4, %dma_start3A_5, %dma_start3A_6] : memref<2x128x128xf32, #tpu.memory_space<vmem>> -> memref<1x128x128xf32, #tpu.memory_space<vmem>>
    %dma_start3A_8 = tpu.memref_squeeze %dma_start3A_7 : memref<1x128x128xf32, #tpu.memory_space<vmem>> -> memref<128x128xf32, #tpu.memory_space<vmem>>
    %dma_start3A_9 = arith.constant 0 : i32
    %dma_start3A_10 = tpu.memref_slice %arg7[%dma_start3A, %dma_start3A_9] : memref<40x128xi32, #tpu.memory_space<vmem>> -> memref<1x128xi32, #tpu.memory_space<vmem>>
    %dma_start3A_11 = tpu.memref_squeeze %dma_start3A_10 : memref<1x128xi32, #tpu.memory_space<vmem>> -> memref<128xi32, #tpu.memory_space<vmem>>
    %dma_start3A_12 = arith.constant 0 : i32
    %dma_start3A_13 = arith.constant 0 : i32
    %dma_start3A_14 = tpu.memref_slice %arg4[%dma_start3A_12, %dma_start3A_13] : memref<10000x128xf32, #tpu.memory_space<hbm>> -> memref<10000x128xf32, #tpu.memory_space<hbm>>
    tpu.enqueue_indirect_dma source(%dma_start3A_14 : memref<10000x128xf32, #tpu.memory_space<hbm>>) target(%dma_start3A_8 : memref<128x128xf32, #tpu.memory_space<vmem>>) offsets(%dma_start3A_11 : memref<128xi32, #tpu.memory_space<vmem>>) semaphore(%arg11 : memref<!tpu.dma_semaphore, #tpu.memory_space<semaphore_mem>>)
    %scan3A = arith.constant 0 : i32
    %scan3A_15 = arith.constant 0 : i32
    %scan3A_16 = arith.constant 40 : i32
    %scan3A_17 = arith.addi %scan3A_15, %scan3A_16 : i32
    %scan3A_18 = arith.constant 1 : i32
    scf.for %scan3A_66 = %scan3A_15 to %scan3A_17 step %scan3A_18  : i32 {
      %jit3A = arith.constant 2 : i32
      %eq3A = arith.constant 0 : i32
      %eq3A_67 = arith.cmpi eq, %jit3A, %eq3A : i32
      %jit3A_68 = arith.constant 1 : i32
      %select_n3A = arith.select %eq3A_67, %jit3A_68, %jit3A : i32
      %rem3A = arith.remsi %scan3A_66, %select_n3A : i32
      %ne3A = arith.constant 0 : i32
      %ne3A_69 = arith.cmpi ne, %rem3A, %ne3A : i32
      %lt3A = arith.constant 0 : i32
      %lt3A_70 = arith.cmpi slt, %rem3A, %lt3A : i32
      %lt3A_71 = arith.constant 0 : i32
      %lt3A_72 = arith.cmpi slt, %select_n3A, %lt3A_71 : i32
      %ne3A_73 = arith.xori %lt3A_70, %lt3A_72 : i1
      %and3A = arith.andi %ne3A_73, %ne3A_69 : i1
      %add3A_74 = arith.addi %rem3A, %select_n3A : i32
      %select_n3A_75 = arith.select %and3A, %add3A_74, %rem3A : i32
      %eq3A_76 = arith.constant 0 : i32
      %eq3A_77 = arith.cmpi eq, %select_n3A_75, %eq3A_76 : i32
      %convert_element_type3A = arith.extui %eq3A_77 : i1 to i32
      %cond3A = arith.constant 0 : i32
      %cond3A_78 = arith.cmpi ne, %convert_element_type3A, %cond3A : i32
      scf.if %cond3A_78 {
        %dma_wait3A_100 = arith.constant 0 : i32
        %dma_wait3A_101 = arith.constant 0 : i32
        %dma_wait3A_102 = arith.constant 0 : i32
        %dma_wait3A_103 = tpu.memref_slice %arg9[%dma_wait3A_100, %dma_wait3A_101, %dma_wait3A_102] : memref<2x128x128xf32, #tpu.memory_space<vmem>> -> memref<1x128x128xf32, #tpu.memory_space<vmem>>
        %dma_wait3A_104 = tpu.memref_squeeze %dma_wait3A_103 : memref<1x128x128xf32, #tpu.memory_space<vmem>> -> memref<128x128xf32, #tpu.memory_space<vmem>>
        %dma_wait3A_105 = arith.constant 0 : i32
        %dma_wait3A_106 = tpu.memref_slice %arg7[%scan3A_66, %dma_wait3A_105] : memref<40x128xi32, #tpu.memory_space<vmem>> -> memref<1x128xi32, #tpu.memory_space<vmem>>
        %dma_wait3A_107 = tpu.memref_squeeze %dma_wait3A_106 : memref<1x128xi32, #tpu.memory_space<vmem>> -> memref<128xi32, #tpu.memory_space<vmem>>
        %dma_wait3A_108 = arith.constant 0 : i32
        %dma_wait3A_109 = arith.constant 0 : i32
        %dma_wait3A_110 = tpu.memref_slice %arg4[%dma_wait3A_108, %dma_wait3A_109] : memref<10000x128xf32, #tpu.memory_space<hbm>> -> memref<10000x128xf32, #tpu.memory_space<hbm>>
        tpu.wait_indirect_dma semaphore(%arg11 : memref<!tpu.dma_semaphore, #tpu.memory_space<semaphore_mem>>) src(%dma_wait3A_110 : memref<10000x128xf32, #tpu.memory_space<hbm>>) dst(%dma_wait3A_104 : memref<128x128xf32, #tpu.memory_space<vmem>>)
        %ge3A = arith.constant 1 : i32
        %ge3A_111 = arith.cmpi sge, %scan3A_66, %ge3A : i32
        %convert_element_type3A_112 = arith.extui %ge3A_111 : i1 to i32
        %cond3A_113 = arith.constant 0 : i32
        %cond3A_114 = arith.cmpi ne, %convert_element_type3A_112, %cond3A_113 : i32
        scf.if %cond3A_114 {
          %sub3A = arith.constant 1 : i32
          %sub3A_133 = arith.subi %scan3A_66, %sub3A : i32
          %dma_wait3A_134 = arith.constant 1 : i32
          %dma_wait3A_135 = arith.constant 0 : i32
          %dma_wait3A_136 = arith.constant 0 : i32
          %dma_wait3A_137 = tpu.memref_slice %arg9[%dma_wait3A_134, %dma_wait3A_135, %dma_wait3A_136] : memref<2x128x128xf32, #tpu.memory_space<vmem>> -> memref<1x128x128xf32, #tpu.memory_space<vmem>>
          %dma_wait3A_138 = tpu.memref_squeeze %dma_wait3A_137 : memref<1x128x128xf32, #tpu.memory_space<vmem>> -> memref<128x128xf32, #tpu.memory_space<vmem>>
          %dma_wait3A_139 = arith.constant 0 : i32
          %dma_wait3A_140 = tpu.memref_slice %arg8[%sub3A_133, %dma_wait3A_139] : memref<40x128xi32, #tpu.memory_space<vmem>> -> memref<1x128xi32, #tpu.memory_space<vmem>>
          %dma_wait3A_141 = tpu.memref_squeeze %dma_wait3A_140 : memref<1x128xi32, #tpu.memory_space<vmem>> -> memref<128xi32, #tpu.memory_space<vmem>>
          %dma_wait3A_142 = arith.constant 0 : i32
          %dma_wait3A_143 = arith.constant 0 : i32
          %dma_wait3A_144 = tpu.memref_slice %arg10[%dma_wait3A_142, %dma_wait3A_143] : memref<10240x128xf32, #tpu.memory_space<vmem_shared>> -> memref<10240x128xf32, #tpu.memory_space<vmem_shared>>
          tpu.wait_indirect_dma semaphore(%arg14 : memref<!tpu.dma_semaphore, #tpu.memory_space<semaphore_mem>>) src(%dma_wait3A_138 : memref<128x128xf32, #tpu.memory_space<vmem>>) dst(%dma_wait3A_144 : memref<10240x128xf32, #tpu.memory_space<vmem_shared>>)
        } else {
        }
        %add3A_115 = arith.constant 1 : i32
        %add3A_116 = arith.addi %scan3A_66, %add3A_115 : i32
        %lt3A_117 = arith.constant 40 : i32
        %lt3A_118 = arith.cmpi slt, %add3A_116, %lt3A_117 : i32
        %convert_element_type3A_119 = arith.extui %lt3A_118 : i1 to i32
        %cond3A_120 = arith.constant 0 : i32
        %cond3A_121 = arith.cmpi ne, %convert_element_type3A_119, %cond3A_120 : i32
        scf.if %cond3A_121 {
          %add3A_133 = arith.constant 1 : i32
          %add3A_134 = arith.addi %scan3A_66, %add3A_133 : i32
          %dma_start3A_135 = arith.constant 1 : i32
          %dma_start3A_136 = arith.constant 0 : i32
          %dma_start3A_137 = arith.constant 0 : i32
          %dma_start3A_138 = tpu.memref_slice %arg9[%dma_start3A_135, %dma_start3A_136, %dma_start3A_137] : memref<2x128x128xf32, #tpu.memory_space<vmem>> -> memref<1x128x128xf32, #tpu.memory_space<vmem>>
          %dma_start3A_139 = tpu.memref_squeeze %dma_start3A_138 : memref<1x128x128xf32, #tpu.memory_space<vmem>> -> memref<128x128xf32, #tpu.memory_space<vmem>>
          %dma_start3A_140 = arith.constant 0 : i32
          %dma_start3A_141 = tpu.memref_slice %arg7[%add3A_134, %dma_start3A_140] : memref<40x128xi32, #tpu.memory_space<vmem>> -> memref<1x128xi32, #tpu.memory_space<vmem>>
          %dma_start3A_142 = tpu.memref_squeeze %dma_start3A_141 : memref<1x128xi32, #tpu.memory_space<vmem>> -> memref<128xi32, #tpu.memory_space<vmem>>
          %dma_start3A_143 = arith.constant 0 : i32
          %dma_start3A_144 = arith.constant 0 : i32
          %dma_start3A_145 = tpu.memref_slice %arg4[%dma_start3A_143, %dma_start3A_144] : memref<10000x128xf32, #tpu.memory_space<hbm>> -> memref<10000x128xf32, #tpu.memory_space<hbm>>
          tpu.enqueue_indirect_dma source(%dma_start3A_145 : memref<10000x128xf32, #tpu.memory_space<hbm>>) target(%dma_start3A_139 : memref<128x128xf32, #tpu.memory_space<vmem>>) offsets(%dma_start3A_142 : memref<128xi32, #tpu.memory_space<vmem>>) semaphore(%arg12 : memref<!tpu.dma_semaphore, #tpu.memory_space<semaphore_mem>>)
        } else {
        }
        %dma_start3A_122 = arith.constant 0 : i32
        %dma_start3A_123 = arith.constant 0 : i32
        %dma_start3A_124 = arith.constant 0 : i32
        %dma_start3A_125 = tpu.memref_slice %arg9[%dma_start3A_122, %dma_start3A_123, %dma_start3A_124] : memref<2x128x128xf32, #tpu.memory_space<vmem>> -> memref<1x128x128xf32, #tpu.memory_space<vmem>>
        %dma_start3A_126 = tpu.memref_squeeze %dma_start3A_125 : memref<1x128x128xf32, #tpu.memory_space<vmem>> -> memref<128x128xf32, #tpu.memory_space<vmem>>
        %dma_start3A_127 = arith.constant 0 : i32
        %dma_start3A_128 = tpu.memref_slice %arg8[%scan3A_66, %dma_start3A_127] : memref<40x128xi32, #tpu.memory_space<vmem>> -> memref<1x128xi32, #tpu.memory_space<vmem>>
        %dma_start3A_129 = tpu.memref_squeeze %dma_start3A_128 : memref<1x128xi32, #tpu.memory_space<vmem>> -> memref<128xi32, #tpu.memory_space<vmem>>
        %dma_start3A_130 = arith.constant 0 : i32
        %dma_start3A_131 = arith.constant 0 : i32
        %dma_start3A_132 = tpu.memref_slice %arg10[%dma_start3A_130, %dma_start3A_131] : memref<10240x128xf32, #tpu.memory_space<vmem_shared>> -> memref<10240x128xf32, #tpu.memory_space<vmem_shared>>
        tpu.enqueue_indirect_dma source(%dma_start3A_126 : memref<128x128xf32, #tpu.memory_space<vmem>>) target(%dma_start3A_132 : memref<10240x128xf32, #tpu.memory_space<vmem_shared>>) offsets(%dma_start3A_129 : memref<128xi32, #tpu.memory_space<vmem>>) semaphore(%arg13 : memref<!tpu.dma_semaphore, #tpu.memory_space<semaphore_mem>>) {add = true}
      } else {
      }
      %jit3A_79 = arith.constant 2 : i32
      %eq3A_80 = arith.constant 0 : i32
      %eq3A_81 = arith.cmpi eq, %jit3A_79, %eq3A_80 : i32
      %jit3A_82 = arith.constant 1 : i32
      %select_n3A_83 = arith.select %eq3A_81, %jit3A_82, %jit3A_79 : i32
      %rem3A_84 = arith.remsi %scan3A_66, %select_n3A_83 : i32
      %ne3A_85 = arith.constant 0 : i32
      %ne3A_86 = arith.cmpi ne, %rem3A_84, %ne3A_85 : i32
      %lt3A_87 = arith.constant 0 : i32
      %lt3A_88 = arith.cmpi slt, %rem3A_84, %lt3A_87 : i32
      %lt3A_89 = arith.constant 0 : i32
      %lt3A_90 = arith.cmpi slt, %select_n3A_83, %lt3A_89 : i32
      %ne3A_91 = arith.xori %lt3A_88, %lt3A_90 : i1
      %and3A_92 = arith.andi %ne3A_91, %ne3A_86 : i1
      %add3A_93 = arith.addi %rem3A_84, %select_n3A_83 : i32
      %select_n3A_94 = arith.select %and3A_92, %add3A_93, %rem3A_84 : i32
      %eq3A_95 = arith.constant 1 : i32
      %eq3A_96 = arith.cmpi eq, %select_n3A_94, %eq3A_95 : i32
      %convert_element_type3A_97 = arith.extui %eq3A_96 : i1 to i32
      %cond3A_98 = arith.constant 0 : i32
      %cond3A_99 = arith.cmpi ne, %convert_element_type3A_97, %cond3A_98 : i32
      scf.if %cond3A_99 {
        %dma_wait3A_100 = arith.constant 1 : i32
        %dma_wait3A_101 = arith.constant 0 : i32
        %dma_wait3A_102 = arith.constant 0 : i32
        %dma_wait3A_103 = tpu.memref_slice %arg9[%dma_wait3A_100, %dma_wait3A_101, %dma_wait3A_102] : memref<2x128x128xf32, #tpu.memory_space<vmem>> -> memref<1x128x128xf32, #tpu.memory_space<vmem>>
        %dma_wait3A_104 = tpu.memref_squeeze %dma_wait3A_103 : memref<1x128x128xf32, #tpu.memory_space<vmem>> -> memref<128x128xf32, #tpu.memory_space<vmem>>
        %dma_wait3A_105 = arith.constant 0 : i32
        %dma_wait3A_106 = tpu.memref_slice %arg7[%scan3A_66, %dma_wait3A_105] : memref<40x128xi32, #tpu.memory_space<vmem>> -> memref<1x128xi32, #tpu.memory_space<vmem>>
        %dma_wait3A_107 = tpu.memref_squeeze %dma_wait3A_106 : memref<1x128xi32, #tpu.memory_space<vmem>> -> memref<128xi32, #tpu.memory_space<vmem>>
        %dma_wait3A_108 = arith.constant 0 : i32
        %dma_wait3A_109 = arith.constant 0 : i32
        %dma_wait3A_110 = tpu.memref_slice %arg4[%dma_wait3A_108, %dma_wait3A_109] : memref<10000x128xf32, #tpu.memory_space<hbm>> -> memref<10000x128xf32, #tpu.memory_space<hbm>>
        tpu.wait_indirect_dma semaphore(%arg12 : memref<!tpu.dma_semaphore, #tpu.memory_space<semaphore_mem>>) src(%dma_wait3A_110 : memref<10000x128xf32, #tpu.memory_space<hbm>>) dst(%dma_wait3A_104 : memref<128x128xf32, #tpu.memory_space<vmem>>)
        %ge3A = arith.constant 1 : i32
        %ge3A_111 = arith.cmpi sge, %scan3A_66, %ge3A : i32
        %convert_element_type3A_112 = arith.extui %ge3A_111 : i1 to i32
        %cond3A_113 = arith.constant 0 : i32
        %cond3A_114 = arith.cmpi ne, %convert_element_type3A_112, %cond3A_113 : i32
        scf.if %cond3A_114 {
          %sub3A = arith.constant 1 : i32
          %sub3A_133 = arith.subi %scan3A_66, %sub3A : i32
          %dma_wait3A_134 = arith.constant 0 : i32
          %dma_wait3A_135 = arith.constant 0 : i32
          %dma_wait3A_136 = arith.constant 0 : i32
          %dma_wait3A_137 = tpu.memref_slice %arg9[%dma_wait3A_134, %dma_wait3A_135, %dma_wait3A_136] : memref<2x128x128xf32, #tpu.memory_space<vmem>> -> memref<1x128x128xf32, #tpu.memory_space<vmem>>
          %dma_wait3A_138 = tpu.memref_squeeze %dma_wait3A_137 : memref<1x128x128xf32, #tpu.memory_space<vmem>> -> memref<128x128xf32, #tpu.memory_space<vmem>>
          %dma_wait3A_139 = arith.constant 0 : i32
          %dma_wait3A_140 = tpu.memref_slice %arg8[%sub3A_133, %dma_wait3A_139] : memref<40x128xi32, #tpu.memory_space<vmem>> -> memref<1x128xi32, #tpu.memory_space<vmem>>
          %dma_wait3A_141 = tpu.memref_squeeze %dma_wait3A_140 : memref<1x128xi32, #tpu.memory_space<vmem>> -> memref<128xi32, #tpu.memory_space<vmem>>
          %dma_wait3A_142 = arith.constant 0 : i32
          %dma_wait3A_143 = arith.constant 0 : i32
          %dma_wait3A_144 = tpu.memref_slice %arg10[%dma_wait3A_142, %dma_wait3A_143] : memref<10240x128xf32, #tpu.memory_space<vmem_shared>> -> memref<10240x128xf32, #tpu.memory_space<vmem_shared>>
          tpu.wait_indirect_dma semaphore(%arg13 : memref<!tpu.dma_semaphore, #tpu.memory_space<semaphore_mem>>) src(%dma_wait3A_138 : memref<128x128xf32, #tpu.memory_space<vmem>>) dst(%dma_wait3A_144 : memref<10240x128xf32, #tpu.memory_space<vmem_shared>>)
        } else {
        }
        %add3A_115 = arith.constant 1 : i32
        %add3A_116 = arith.addi %scan3A_66, %add3A_115 : i32
        %lt3A_117 = arith.constant 40 : i32
        %lt3A_118 = arith.cmpi slt, %add3A_116, %lt3A_117 : i32
        %convert_element_type3A_119 = arith.extui %lt3A_118 : i1 to i32
        %cond3A_120 = arith.constant 0 : i32
        %cond3A_121 = arith.cmpi ne, %convert_element_type3A_119, %cond3A_120 : i32
        scf.if %cond3A_121 {
          %add3A_133 = arith.constant 1 : i32
          %add3A_134 = arith.addi %scan3A_66, %add3A_133 : i32
          %dma_start3A_135 = arith.constant 0 : i32
          %dma_start3A_136 = arith.constant 0 : i32
          %dma_start3A_137 = arith.constant 0 : i32
          %dma_start3A_138 = tpu.memref_slice %arg9[%dma_start3A_135, %dma_start3A_136, %dma_start3A_137] : memref<2x128x128xf32, #tpu.memory_space<vmem>> -> memref<1x128x128xf32, #tpu.memory_space<vmem>>
          %dma_start3A_139 = tpu.memref_squeeze %dma_start3A_138 : memref<1x128x128xf32, #tpu.memory_space<vmem>> -> memref<128x128xf32, #tpu.memory_space<vmem>>
          %dma_start3A_140 = arith.constant 0 : i32
          %dma_start3A_141 = tpu.memref_slice %arg7[%add3A_134, %dma_start3A_140] : memref<40x128xi32, #tpu.memory_space<vmem>> -> memref<1x128xi32, #tpu.memory_space<vmem>>
          %dma_start3A_142 = tpu.memref_squeeze %dma_start3A_141 : memref<1x128xi32, #tpu.memory_space<vmem>> -> memref<128xi32, #tpu.memory_space<vmem>>
          %dma_start3A_143 = arith.constant 0 : i32
          %dma_start3A_144 = arith.constant 0 : i32
          %dma_start3A_145 = tpu.memref_slice %arg4[%dma_start3A_143, %dma_start3A_144] : memref<10000x128xf32, #tpu.memory_space<hbm>> -> memref<10000x128xf32, #tpu.memory_space<hbm>>
          tpu.enqueue_indirect_dma source(%dma_start3A_145 : memref<10000x128xf32, #tpu.memory_space<hbm>>) target(%dma_start3A_139 : memref<128x128xf32, #tpu.memory_space<vmem>>) offsets(%dma_start3A_142 : memref<128xi32, #tpu.memory_space<vmem>>) semaphore(%arg11 : memref<!tpu.dma_semaphore, #tpu.memory_space<semaphore_mem>>)
        } else {
        }
        %dma_start3A_122 = arith.constant 1 : i32
        %dma_start3A_123 = arith.constant 0 : i32
        %dma_start3A_124 = arith.constant 0 : i32
        %dma_start3A_125 = tpu.memref_slice %arg9[%dma_start3A_122, %dma_start3A_123, %dma_start3A_124] : memref<2x128x128xf32, #tpu.memory_space<vmem>> -> memref<1x128x128xf32, #tpu.memory_space<vmem>>
        %dma_start3A_126 = tpu.memref_squeeze %dma_start3A_125 : memref<1x128x128xf32, #tpu.memory_space<vmem>> -> memref<128x128xf32, #tpu.memory_space<vmem>>
        %dma_start3A_127 = arith.constant 0 : i32
        %dma_start3A_128 = tpu.memref_slice %arg8[%scan3A_66, %dma_start3A_127] : memref<40x128xi32, #tpu.memory_space<vmem>> -> memref<1x128xi32, #tpu.memory_space<vmem>>
        %dma_start3A_129 = tpu.memref_squeeze %dma_start3A_128 : memref<1x128xi32, #tpu.memory_space<vmem>> -> memref<128xi32, #tpu.memory_space<vmem>>
        %dma_start3A_130 = arith.constant 0 : i32
        %dma_start3A_131 = arith.constant 0 : i32
        %dma_start3A_132 = tpu.memref_slice %arg10[%dma_start3A_130, %dma_start3A_131] : memref<10240x128xf32, #tpu.memory_space<vmem_shared>> -> memref<10240x128xf32, #tpu.memory_space<vmem_shared>>
        tpu.enqueue_indirect_dma source(%dma_start3A_126 : memref<128x128xf32, #tpu.memory_space<vmem>>) target(%dma_start3A_132 : memref<10240x128xf32, #tpu.memory_space<vmem_shared>>) offsets(%dma_start3A_129 : memref<128xi32, #tpu.memory_space<vmem>>) semaphore(%arg14 : memref<!tpu.dma_semaphore, #tpu.memory_space<semaphore_mem>>) {add = true}
      } else {
      }
    }
    %scan3A_19 = arith.constant 40 : i32
    %dma_wait3A = arith.constant 1 : i32
    %dma_wait3A_20 = arith.constant 39 : i32
    %dma_wait3A_21 = arith.constant 0 : i32
    %dma_wait3A_22 = arith.constant 0 : i32
    %dma_wait3A_23 = tpu.memref_slice %arg9[%dma_wait3A, %dma_wait3A_21, %dma_wait3A_22] : memref<2x128x128xf32, #tpu.memory_space<vmem>> -> memref<1x128x128xf32, #tpu.memory_space<vmem>>
    %dma_wait3A_24 = tpu.memref_squeeze %dma_wait3A_23 : memref<1x128x128xf32, #tpu.memory_space<vmem>> -> memref<128x128xf32, #tpu.memory_space<vmem>>
    %dma_wait3A_25 = arith.constant 0 : i32
    %dma_wait3A_26 = tpu.memref_slice %arg8[%dma_wait3A_20, %dma_wait3A_25] : memref<40x128xi32, #tpu.memory_space<vmem>> -> memref<1x128xi32, #tpu.memory_space<vmem>>
    %dma_wait3A_27 = tpu.memref_squeeze %dma_wait3A_26 : memref<1x128xi32, #tpu.memory_space<vmem>> -> memref<128xi32, #tpu.memory_space<vmem>>
    %dma_wait3A_28 = arith.constant 0 : i32
    %dma_wait3A_29 = arith.constant 0 : i32
    %dma_wait3A_30 = tpu.memref_slice %arg10[%dma_wait3A_28, %dma_wait3A_29] : memref<10240x128xf32, #tpu.memory_space<vmem_shared>> -> memref<10240x128xf32, #tpu.memory_space<vmem_shared>>
    tpu.wait_indirect_dma semaphore(%arg14 : memref<!tpu.dma_semaphore, #tpu.memory_space<semaphore_mem>>) src(%dma_wait3A_24 : memref<128x128xf32, #tpu.memory_space<vmem>>) dst(%dma_wait3A_30 : memref<10240x128xf32, #tpu.memory_space<vmem_shared>>)
    %run_scoped3A_31 = arith.constant 1 : i32
    "tpu.region"() ({
      %run_scoped3A_66 = tpu.sem_alloc : memref<!tpu.dma_semaphore, #tpu.memory_space<semaphore_mem>>
      %dma_start3A_67 = arith.constant 0 : i32
      %dma_start3A_68 = arith.constant 0 : i32
      %dma_start3A_69 = tpu.memref_slice %arg2[%add3A, %run_scoped3A_31, %dma_start3A_67, %dma_start3A_68] : memref<32x2x40x128xi32, #tpu.memory_space<hbm>> -> memref<1x1x40x128xi32, #tpu.memory_space<hbm>>
      %dma_start3A_70 = tpu.memref_squeeze %dma_start3A_69 : memref<1x1x40x128xi32, #tpu.memory_space<hbm>> -> memref<40x128xi32, #tpu.memory_space<hbm>>
      %dma_start3A_71 = arith.constant 0 : i32
      %dma_start3A_72 = arith.constant 0 : i32
      %dma_start3A_73 = tpu.memref_slice %arg2[%add3A, %run_scoped3A_31, %dma_start3A_71, %dma_start3A_72] : memref<32x2x40x128xi32, #tpu.memory_space<hbm>> -> memref<1x1x40x128xi32, #tpu.memory_space<hbm>>
      %dma_start3A_74 = tpu.memref_squeeze %dma_start3A_73 : memref<1x1x40x128xi32, #tpu.memory_space<hbm>> -> memref<40x128xi32, #tpu.memory_space<hbm>>
      tpu.enqueue_dma source(%dma_start3A_74 : memref<40x128xi32, #tpu.memory_space<hbm>>) target(%arg7 : memref<40x128xi32, #tpu.memory_space<vmem>>) target_semaphore(%run_scoped3A_66 : memref<!tpu.dma_semaphore, #tpu.memory_space<semaphore_mem>>)
      %dma_wait3A_75 = arith.constant 0 : i32
      %dma_wait3A_76 = arith.constant 0 : i32
      %dma_wait3A_77 = tpu.memref_slice %arg2[%add3A, %run_scoped3A_31, %dma_wait3A_75, %dma_wait3A_76] : memref<32x2x40x128xi32, #tpu.memory_space<hbm>> -> memref<1x1x40x128xi32, #tpu.memory_space<hbm>>
      %dma_wait3A_78 = tpu.memref_squeeze %dma_wait3A_77 : memref<1x1x40x128xi32, #tpu.memory_space<hbm>> -> memref<40x128xi32, #tpu.memory_space<hbm>>
      %dma_wait3A_79 = arith.constant 0 : i32
      %dma_wait3A_80 = arith.constant 0 : i32
      %dma_wait3A_81 = tpu.memref_slice %arg2[%add3A, %run_scoped3A_31, %dma_wait3A_79, %dma_wait3A_80] : memref<32x2x40x128xi32, #tpu.memory_space<hbm>> -> memref<1x1x40x128xi32, #tpu.memory_space<hbm>>
      %dma_wait3A_82 = tpu.memref_squeeze %dma_wait3A_81 : memref<1x1x40x128xi32, #tpu.memory_space<hbm>> -> memref<40x128xi32, #tpu.memory_space<hbm>>
      tpu.wait_dma2 semaphore(%run_scoped3A_66 : memref<!tpu.dma_semaphore, #tpu.memory_space<semaphore_mem>>) src(%dma_wait3A_82 : memref<40x128xi32, #tpu.memory_space<hbm>>) dst(%arg7 : memref<40x128xi32, #tpu.memory_space<vmem>>)
      tpu.yield
    }) : () -> ()
    %run_scoped3A_32 = arith.constant 1 : i32
    "tpu.region"() ({
      %run_scoped3A_66 = tpu.sem_alloc : memref<!tpu.dma_semaphore, #tpu.memory_space<semaphore_mem>>
      %dma_start3A_67 = arith.constant 0 : i32
      %dma_start3A_68 = arith.constant 0 : i32
      %dma_start3A_69 = tpu.memref_slice %arg3[%add3A, %run_scoped3A_32, %dma_start3A_67, %dma_start3A_68] : memref<32x2x40x128xi32, #tpu.memory_space<hbm>> -> memref<1x1x40x128xi32, #tpu.memory_space<hbm>>
      %dma_start3A_70 = tpu.memref_squeeze %dma_start3A_69 : memref<1x1x40x128xi32, #tpu.memory_space<hbm>> -> memref<40x128xi32, #tpu.memory_space<hbm>>
      %dma_start3A_71 = arith.constant 0 : i32
      %dma_start3A_72 = arith.constant 0 : i32
      %dma_start3A_73 = tpu.memref_slice %arg3[%add3A, %run_scoped3A_32, %dma_start3A_71, %dma_start3A_72] : memref<32x2x40x128xi32, #tpu.memory_space<hbm>> -> memref<1x1x40x128xi32, #tpu.memory_space<hbm>>
      %dma_start3A_74 = tpu.memref_squeeze %dma_start3A_73 : memref<1x1x40x128xi32, #tpu.memory_space<hbm>> -> memref<40x128xi32, #tpu.memory_space<hbm>>
      tpu.enqueue_dma source(%dma_start3A_74 : memref<40x128xi32, #tpu.memory_space<hbm>>) target(%arg8 : memref<40x128xi32, #tpu.memory_space<vmem>>) target_semaphore(%run_scoped3A_66 : memref<!tpu.dma_semaphore, #tpu.memory_space<semaphore_mem>>)
      %dma_wait3A_75 = arith.constant 0 : i32
      %dma_wait3A_76 = arith.constant 0 : i32
      %dma_wait3A_77 = tpu.memref_slice %arg3[%add3A, %run_scoped3A_32, %dma_wait3A_75, %dma_wait3A_76] : memref<32x2x40x128xi32, #tpu.memory_space<hbm>> -> memref<1x1x40x128xi32, #tpu.memory_space<hbm>>
      %dma_wait3A_78 = tpu.memref_squeeze %dma_wait3A_77 : memref<1x1x40x128xi32, #tpu.memory_space<hbm>> -> memref<40x128xi32, #tpu.memory_space<hbm>>
      %dma_wait3A_79 = arith.constant 0 : i32
      %dma_wait3A_80 = arith.constant 0 : i32
      %dma_wait3A_81 = tpu.memref_slice %arg3[%add3A, %run_scoped3A_32, %dma_wait3A_79, %dma_wait3A_80] : memref<32x2x40x128xi32, #tpu.memory_space<hbm>> -> memref<1x1x40x128xi32, #tpu.memory_space<hbm>>
      %dma_wait3A_82 = tpu.memref_squeeze %dma_wait3A_81 : memref<1x1x40x128xi32, #tpu.memory_space<hbm>> -> memref<40x128xi32, #tpu.memory_space<hbm>>
      tpu.wait_dma2 semaphore(%run_scoped3A_66 : memref<!tpu.dma_semaphore, #tpu.memory_space<semaphore_mem>>) src(%dma_wait3A_82 : memref<40x128xi32, #tpu.memory_space<hbm>>) dst(%arg8 : memref<40x128xi32, #tpu.memory_space<vmem>>)
      tpu.yield
    }) : () -> ()
    %dma_start3A_33 = arith.constant 0 : i32
    %dma_start3A_34 = arith.constant 0 : i32
    %dma_start3A_35 = arith.constant 0 : i32
    %dma_start3A_36 = arith.constant 0 : i32
    %dma_start3A_37 = tpu.memref_slice %arg9[%dma_start3A_34, %dma_start3A_35, %dma_start3A_36] : memref<2x128x128xf32, #tpu.memory_space<vmem>> -> memref<1x128x128xf32, #tpu.memory_space<vmem>>
    %dma_start3A_38 = tpu.memref_squeeze %dma_start3A_37 : memref<1x128x128xf32, #tpu.memory_space<vmem>> -> memref<128x128xf32, #tpu.memory_space<vmem>>
    %dma_start3A_39 = arith.constant 0 : i32
    %dma_start3A_40 = tpu.memref_slice %arg7[%dma_start3A_33, %dma_start3A_39] : memref<40x128xi32, #tpu.memory_space<vmem>> -> memref<1x128xi32, #tpu.memory_space<vmem>>
    %dma_start3A_41 = tpu.memref_squeeze %dma_start3A_40 : memref<1x128xi32, #tpu.memory_space<vmem>> -> memref<128xi32, #tpu.memory_space<vmem>>
    %dma_start3A_42 = arith.constant 0 : i32
    %dma_start3A_43 = arith.constant 0 : i32
    %dma_start3A_44 = tpu.memref_slice %arg4[%dma_start3A_42, %dma_start3A_43] : memref<10000x128xf32, #tpu.memory_space<hbm>> -> memref<10000x128xf32, #tpu.memory_space<hbm>>
    tpu.enqueue_indirect_dma source(%dma_start3A_44 : memref<10000x128xf32, #tpu.memory_space<hbm>>) target(%dma_start3A_38 : memref<128x128xf32, #tpu.memory_space<vmem>>) offsets(%dma_start3A_41 : memref<128xi32, #tpu.memory_space<vmem>>) semaphore(%arg11 : memref<!tpu.dma_semaphore, #tpu.memory_space<semaphore_mem>>)
    %scan3A_45 = arith.constant 0 : i32
    %scan3A_46 = arith.constant 0 : i32
    %scan3A_47 = arith.constant 40 : i32
    %scan3A_48 = arith.addi %scan3A_46, %scan3A_47 : i32
    %scan3A_49 = arith.constant 1 : i32
    scf.for %scan3A_66 = %scan3A_46 to %scan3A_48 step %scan3A_49  : i32 {
      %jit3A = arith.constant 2 : i32
      %eq3A = arith.constant 0 : i32
      %eq3A_67 = arith.cmpi eq, %jit3A, %eq3A : i32
      %jit3A_68 = arith.constant 1 : i32
      %select_n3A = arith.select %eq3A_67, %jit3A_68, %jit3A : i32
      %rem3A = arith.remsi %scan3A_66, %select_n3A : i32
      %ne3A = arith.constant 0 : i32
      %ne3A_69 = arith.cmpi ne, %rem3A, %ne3A : i32
      %lt3A = arith.constant 0 : i32
      %lt3A_70 = arith.cmpi slt, %rem3A, %lt3A : i32
      %lt3A_71 = arith.constant 0 : i32
      %lt3A_72 = arith.cmpi slt, %select_n3A, %lt3A_71 : i32
      %ne3A_73 = arith.xori %lt3A_70, %lt3A_72 : i1
      %and3A = arith.andi %ne3A_73, %ne3A_69 : i1
      %add3A_74 = arith.addi %rem3A, %select_n3A : i32
      %select_n3A_75 = arith.select %and3A, %add3A_74, %rem3A : i32
      %eq3A_76 = arith.constant 0 : i32
      %eq3A_77 = arith.cmpi eq, %select_n3A_75, %eq3A_76 : i32
      %convert_element_type3A = arith.extui %eq3A_77 : i1 to i32
      %cond3A = arith.constant 0 : i32
      %cond3A_78 = arith.cmpi ne, %convert_element_type3A, %cond3A : i32
      scf.if %cond3A_78 {
        %dma_wait3A_100 = arith.constant 0 : i32
        %dma_wait3A_101 = arith.constant 0 : i32
        %dma_wait3A_102 = arith.constant 0 : i32
        %dma_wait3A_103 = tpu.memref_slice %arg9[%dma_wait3A_100, %dma_wait3A_101, %dma_wait3A_102] : memref<2x128x128xf32, #tpu.memory_space<vmem>> -> memref<1x128x128xf32, #tpu.memory_space<vmem>>
        %dma_wait3A_104 = tpu.memref_squeeze %dma_wait3A_103 : memref<1x128x128xf32, #tpu.memory_space<vmem>> -> memref<128x128xf32, #tpu.memory_space<vmem>>
        %dma_wait3A_105 = arith.constant 0 : i32
        %dma_wait3A_106 = tpu.memref_slice %arg7[%scan3A_66, %dma_wait3A_105] : memref<40x128xi32, #tpu.memory_space<vmem>> -> memref<1x128xi32, #tpu.memory_space<vmem>>
        %dma_wait3A_107 = tpu.memref_squeeze %dma_wait3A_106 : memref<1x128xi32, #tpu.memory_space<vmem>> -> memref<128xi32, #tpu.memory_space<vmem>>
        %dma_wait3A_108 = arith.constant 0 : i32
        %dma_wait3A_109 = arith.constant 0 : i32
        %dma_wait3A_110 = tpu.memref_slice %arg4[%dma_wait3A_108, %dma_wait3A_109] : memref<10000x128xf32, #tpu.memory_space<hbm>> -> memref<10000x128xf32, #tpu.memory_space<hbm>>
        tpu.wait_indirect_dma semaphore(%arg11 : memref<!tpu.dma_semaphore, #tpu.memory_space<semaphore_mem>>) src(%dma_wait3A_110 : memref<10000x128xf32, #tpu.memory_space<hbm>>) dst(%dma_wait3A_104 : memref<128x128xf32, #tpu.memory_space<vmem>>)
        %ge3A = arith.constant 1 : i32
        %ge3A_111 = arith.cmpi sge, %scan3A_66, %ge3A : i32
        %convert_element_type3A_112 = arith.extui %ge3A_111 : i1 to i32
        %cond3A_113 = arith.constant 0 : i32
        %cond3A_114 = arith.cmpi ne, %convert_element_type3A_112, %cond3A_113 : i32
        scf.if %cond3A_114 {
          %sub3A = arith.constant 1 : i32
          %sub3A_133 = arith.subi %scan3A_66, %sub3A : i32
          %dma_wait3A_134 = arith.constant 1 : i32
          %dma_wait3A_135 = arith.constant 0 : i32
          %dma_wait3A_136 = arith.constant 0 : i32
          %dma_wait3A_137 = tpu.memref_slice %arg9[%dma_wait3A_134, %dma_wait3A_135, %dma_wait3A_136] : memref<2x128x128xf32, #tpu.memory_space<vmem>> -> memref<1x128x128xf32, #tpu.memory_space<vmem>>
          %dma_wait3A_138 = tpu.memref_squeeze %dma_wait3A_137 : memref<1x128x128xf32, #tpu.memory_space<vmem>> -> memref<128x128xf32, #tpu.memory_space<vmem>>
          %dma_wait3A_139 = arith.constant 0 : i32
          %dma_wait3A_140 = tpu.memref_slice %arg8[%sub3A_133, %dma_wait3A_139] : memref<40x128xi32, #tpu.memory_space<vmem>> -> memref<1x128xi32, #tpu.memory_space<vmem>>
          %dma_wait3A_141 = tpu.memref_squeeze %dma_wait3A_140 : memref<1x128xi32, #tpu.memory_space<vmem>> -> memref<128xi32, #tpu.memory_space<vmem>>
          %dma_wait3A_142 = arith.constant 0 : i32
          %dma_wait3A_143 = arith.constant 0 : i32
          %dma_wait3A_144 = tpu.memref_slice %arg10[%dma_wait3A_142, %dma_wait3A_143] : memref<10240x128xf32, #tpu.memory_space<vmem_shared>> -> memref<10240x128xf32, #tpu.memory_space<vmem_shared>>
          tpu.wait_indirect_dma semaphore(%arg14 : memref<!tpu.dma_semaphore, #tpu.memory_space<semaphore_mem>>) src(%dma_wait3A_138 : memref<128x128xf32, #tpu.memory_space<vmem>>) dst(%dma_wait3A_144 : memref<10240x128xf32, #tpu.memory_space<vmem_shared>>)
        } else {
        }
        %add3A_115 = arith.constant 1 : i32
        %add3A_116 = arith.addi %scan3A_66, %add3A_115 : i32
        %lt3A_117 = arith.constant 40 : i32
        %lt3A_118 = arith.cmpi slt, %add3A_116, %lt3A_117 : i32
        %convert_element_type3A_119 = arith.extui %lt3A_118 : i1 to i32
        %cond3A_120 = arith.constant 0 : i32
        %cond3A_121 = arith.cmpi ne, %convert_element_type3A_119, %cond3A_120 : i32
        scf.if %cond3A_121 {
          %add3A_133 = arith.constant 1 : i32
          %add3A_134 = arith.addi %scan3A_66, %add3A_133 : i32
          %dma_start3A_135 = arith.constant 1 : i32
          %dma_start3A_136 = arith.constant 0 : i32
          %dma_start3A_137 = arith.constant 0 : i32
          %dma_start3A_138 = tpu.memref_slice %arg9[%dma_start3A_135, %dma_start3A_136, %dma_start3A_137] : memref<2x128x128xf32, #tpu.memory_space<vmem>> -> memref<1x128x128xf32, #tpu.memory_space<vmem>>
          %dma_start3A_139 = tpu.memref_squeeze %dma_start3A_138 : memref<1x128x128xf32, #tpu.memory_space<vmem>> -> memref<128x128xf32, #tpu.memory_space<vmem>>
          %dma_start3A_140 = arith.constant 0 : i32
          %dma_start3A_141 = tpu.memref_slice %arg7[%add3A_134, %dma_start3A_140] : memref<40x128xi32, #tpu.memory_space<vmem>> -> memref<1x128xi32, #tpu.memory_space<vmem>>
          %dma_start3A_142 = tpu.memref_squeeze %dma_start3A_141 : memref<1x128xi32, #tpu.memory_space<vmem>> -> memref<128xi32, #tpu.memory_space<vmem>>
          %dma_start3A_143 = arith.constant 0 : i32
          %dma_start3A_144 = arith.constant 0 : i32
          %dma_start3A_145 = tpu.memref_slice %arg4[%dma_start3A_143, %dma_start3A_144] : memref<10000x128xf32, #tpu.memory_space<hbm>> -> memref<10000x128xf32, #tpu.memory_space<hbm>>
          tpu.enqueue_indirect_dma source(%dma_start3A_145 : memref<10000x128xf32, #tpu.memory_space<hbm>>) target(%dma_start3A_139 : memref<128x128xf32, #tpu.memory_space<vmem>>) offsets(%dma_start3A_142 : memref<128xi32, #tpu.memory_space<vmem>>) semaphore(%arg12 : memref<!tpu.dma_semaphore, #tpu.memory_space<semaphore_mem>>)
        } else {
        }
        %dma_start3A_122 = arith.constant 0 : i32
        %dma_start3A_123 = arith.constant 0 : i32
        %dma_start3A_124 = arith.constant 0 : i32
        %dma_start3A_125 = tpu.memref_slice %arg9[%dma_start3A_122, %dma_start3A_123, %dma_start3A_124] : memref<2x128x128xf32, #tpu.memory_space<vmem>> -> memref<1x128x128xf32, #tpu.memory_space<vmem>>
        %dma_start3A_126 = tpu.memref_squeeze %dma_start3A_125 : memref<1x128x128xf32, #tpu.memory_space<vmem>> -> memref<128x128xf32, #tpu.memory_space<vmem>>
        %dma_start3A_127 = arith.constant 0 : i32
        %dma_start3A_128 = tpu.memref_slice %arg8[%scan3A_66, %dma_start3A_127] : memref<40x128xi32, #tpu.memory_space<vmem>> -> memref<1x128xi32, #tpu.memory_space<vmem>>
        %dma_start3A_129 = tpu.memref_squeeze %dma_start3A_128 : memref<1x128xi32, #tpu.memory_space<vmem>> -> memref<128xi32, #tpu.memory_space<vmem>>
        %dma_start3A_130 = arith.constant 0 : i32
        %dma_start3A_131 = arith.constant 0 : i32
        %dma_start3A_132 = tpu.memref_slice %arg10[%dma_start3A_130, %dma_start3A_131] : memref<10240x128xf32, #tpu.memory_space<vmem_shared>> -> memref<10240x128xf32, #tpu.memory_space<vmem_shared>>
        tpu.enqueue_indirect_dma source(%dma_start3A_126 : memref<128x128xf32, #tpu.memory_space<vmem>>) target(%dma_start3A_132 : memref<10240x128xf32, #tpu.memory_space<vmem_shared>>) offsets(%dma_start3A_129 : memref<128xi32, #tpu.memory_space<vmem>>) semaphore(%arg13 : memref<!tpu.dma_semaphore, #tpu.memory_space<semaphore_mem>>) {add = true}
      } else {
      }
      %jit3A_79 = arith.constant 2 : i32
      %eq3A_80 = arith.constant 0 : i32
      %eq3A_81 = arith.cmpi eq, %jit3A_79, %eq3A_80 : i32
      %jit3A_82 = arith.constant 1 : i32
      %select_n3A_83 = arith.select %eq3A_81, %jit3A_82, %jit3A_79 : i32
      %rem3A_84 = arith.remsi %scan3A_66, %select_n3A_83 : i32
      %ne3A_85 = arith.constant 0 : i32
      %ne3A_86 = arith.cmpi ne, %rem3A_84, %ne3A_85 : i32
      %lt3A_87 = arith.constant 0 : i32
      %lt3A_88 = arith.cmpi slt, %rem3A_84, %lt3A_87 : i32
      %lt3A_89 = arith.constant 0 : i32
      %lt3A_90 = arith.cmpi slt, %select_n3A_83, %lt3A_89 : i32
      %ne3A_91 = arith.xori %lt3A_88, %lt3A_90 : i1
      %and3A_92 = arith.andi %ne3A_91, %ne3A_86 : i1
      %add3A_93 = arith.addi %rem3A_84, %select_n3A_83 : i32
      %select_n3A_94 = arith.select %and3A_92, %add3A_93, %rem3A_84 : i32
      %eq3A_95 = arith.constant 1 : i32
      %eq3A_96 = arith.cmpi eq, %select_n3A_94, %eq3A_95 : i32
      %convert_element_type3A_97 = arith.extui %eq3A_96 : i1 to i32
      %cond3A_98 = arith.constant 0 : i32
      %cond3A_99 = arith.cmpi ne, %convert_element_type3A_97, %cond3A_98 : i32
      scf.if %cond3A_99 {
        %dma_wait3A_100 = arith.constant 1 : i32
        %dma_wait3A_101 = arith.constant 0 : i32
        %dma_wait3A_102 = arith.constant 0 : i32
        %dma_wait3A_103 = tpu.memref_slice %arg9[%dma_wait3A_100, %dma_wait3A_101, %dma_wait3A_102] : memref<2x128x128xf32, #tpu.memory_space<vmem>> -> memref<1x128x128xf32, #tpu.memory_space<vmem>>
        %dma_wait3A_104 = tpu.memref_squeeze %dma_wait3A_103 : memref<1x128x128xf32, #tpu.memory_space<vmem>> -> memref<128x128xf32, #tpu.memory_space<vmem>>
        %dma_wait3A_105 = arith.constant 0 : i32
        %dma_wait3A_106 = tpu.memref_slice %arg7[%scan3A_66, %dma_wait3A_105] : memref<40x128xi32, #tpu.memory_space<vmem>> -> memref<1x128xi32, #tpu.memory_space<vmem>>
        %dma_wait3A_107 = tpu.memref_squeeze %dma_wait3A_106 : memref<1x128xi32, #tpu.memory_space<vmem>> -> memref<128xi32, #tpu.memory_space<vmem>>
        %dma_wait3A_108 = arith.constant 0 : i32
        %dma_wait3A_109 = arith.constant 0 : i32
        %dma_wait3A_110 = tpu.memref_slice %arg4[%dma_wait3A_108, %dma_wait3A_109] : memref<10000x128xf32, #tpu.memory_space<hbm>> -> memref<10000x128xf32, #tpu.memory_space<hbm>>
        tpu.wait_indirect_dma semaphore(%arg12 : memref<!tpu.dma_semaphore, #tpu.memory_space<semaphore_mem>>) src(%dma_wait3A_110 : memref<10000x128xf32, #tpu.memory_space<hbm>>) dst(%dma_wait3A_104 : memref<128x128xf32, #tpu.memory_space<vmem>>)
        %ge3A = arith.constant 1 : i32
        %ge3A_111 = arith.cmpi sge, %scan3A_66, %ge3A : i32
        %convert_element_type3A_112 = arith.extui %ge3A_111 : i1 to i32
        %cond3A_113 = arith.constant 0 : i32
        %cond3A_114 = arith.cmpi ne, %convert_element_type3A_112, %cond3A_113 : i32
        scf.if %cond3A_114 {
          %sub3A = arith.constant 1 : i32
          %sub3A_133 = arith.subi %scan3A_66, %sub3A : i32
          %dma_wait3A_134 = arith.constant 0 : i32
          %dma_wait3A_135 = arith.constant 0 : i32
          %dma_wait3A_136 = arith.constant 0 : i32
          %dma_wait3A_137 = tpu.memref_slice %arg9[%dma_wait3A_134, %dma_wait3A_135, %dma_wait3A_136] : memref<2x128x128xf32, #tpu.memory_space<vmem>> -> memref<1x128x128xf32, #tpu.memory_space<vmem>>
          %dma_wait3A_138 = tpu.memref_squeeze %dma_wait3A_137 : memref<1x128x128xf32, #tpu.memory_space<vmem>> -> memref<128x128xf32, #tpu.memory_space<vmem>>
          %dma_wait3A_139 = arith.constant 0 : i32
          %dma_wait3A_140 = tpu.memref_slice %arg8[%sub3A_133, %dma_wait3A_139] : memref<40x128xi32, #tpu.memory_space<vmem>> -> memref<1x128xi32, #tpu.memory_space<vmem>>
          %dma_wait3A_141 = tpu.memref_squeeze %dma_wait3A_140 : memref<1x128xi32, #tpu.memory_space<vmem>> -> memref<128xi32, #tpu.memory_space<vmem>>
          %dma_wait3A_142 = arith.constant 0 : i32
          %dma_wait3A_143 = arith.constant 0 : i32
          %dma_wait3A_144 = tpu.memref_slice %arg10[%dma_wait3A_142, %dma_wait3A_143] : memref<10240x128xf32, #tpu.memory_space<vmem_shared>> -> memref<10240x128xf32, #tpu.memory_space<vmem_shared>>
          tpu.wait_indirect_dma semaphore(%arg13 : memref<!tpu.dma_semaphore, #tpu.memory_space<semaphore_mem>>) src(%dma_wait3A_138 : memref<128x128xf32, #tpu.memory_space<vmem>>) dst(%dma_wait3A_144 : memref<10240x128xf32, #tpu.memory_space<vmem_shared>>)
        } else {
        }
        %add3A_115 = arith.constant 1 : i32
        %add3A_116 = arith.addi %scan3A_66, %add3A_115 : i32
        %lt3A_117 = arith.constant 40 : i32
        %lt3A_118 = arith.cmpi slt, %add3A_116, %lt3A_117 : i32
        %convert_element_type3A_119 = arith.extui %lt3A_118 : i1 to i32
        %cond3A_120 = arith.constant 0 : i32
        %cond3A_121 = arith.cmpi ne, %convert_element_type3A_119, %cond3A_120 : i32
        scf.if %cond3A_121 {
          %add3A_133 = arith.constant 1 : i32
          %add3A_134 = arith.addi %scan3A_66, %add3A_133 : i32
          %dma_start3A_135 = arith.constant 0 : i32
          %dma_start3A_136 = arith.constant 0 : i32
          %dma_start3A_137 = arith.constant 0 : i32
          %dma_start3A_138 = tpu.memref_slice %arg9[%dma_start3A_135, %dma_start3A_136, %dma_start3A_137] : memref<2x128x128xf32, #tpu.memory_space<vmem>> -> memref<1x128x128xf32, #tpu.memory_space<vmem>>
          %dma_start3A_139 = tpu.memref_squeeze %dma_start3A_138 : memref<1x128x128xf32, #tpu.memory_space<vmem>> -> memref<128x128xf32, #tpu.memory_space<vmem>>
          %dma_start3A_140 = arith.constant 0 : i32
          %dma_start3A_141 = tpu.memref_slice %arg7[%add3A_134, %dma_start3A_140] : memref<40x128xi32, #tpu.memory_space<vmem>> -> memref<1x128xi32, #tpu.memory_space<vmem>>
          %dma_start3A_142 = tpu.memref_squeeze %dma_start3A_141 : memref<1x128xi32, #tpu.memory_space<vmem>> -> memref<128xi32, #tpu.memory_space<vmem>>
          %dma_start3A_143 = arith.constant 0 : i32
          %dma_start3A_144 = arith.constant 0 : i32
          %dma_start3A_145 = tpu.memref_slice %arg4[%dma_start3A_143, %dma_start3A_144] : memref<10000x128xf32, #tpu.memory_space<hbm>> -> memref<10000x128xf32, #tpu.memory_space<hbm>>
          tpu.enqueue_indirect_dma source(%dma_start3A_145 : memref<10000x128xf32, #tpu.memory_space<hbm>>) target(%dma_start3A_139 : memref<128x128xf32, #tpu.memory_space<vmem>>) offsets(%dma_start3A_142 : memref<128xi32, #tpu.memory_space<vmem>>) semaphore(%arg11 : memref<!tpu.dma_semaphore, #tpu.memory_space<semaphore_mem>>)
        } else {
        }
        %dma_start3A_122 = arith.constant 1 : i32
        %dma_start3A_123 = arith.constant 0 : i32
        %dma_start3A_124 = arith.constant 0 : i32
        %dma_start3A_125 = tpu.memref_slice %arg9[%dma_start3A_122, %dma_start3A_123, %dma_start3A_124] : memref<2x128x128xf32, #tpu.memory_space<vmem>> -> memref<1x128x128xf32, #tpu.memory_space<vmem>>
        %dma_start3A_126 = tpu.memref_squeeze %dma_start3A_125 : memref<1x128x128xf32, #tpu.memory_space<vmem>> -> memref<128x128xf32, #tpu.memory_space<vmem>>
        %dma_start3A_127 = arith.constant 0 : i32
        %dma_start3A_128 = tpu.memref_slice %arg8[%scan3A_66, %dma_start3A_127] : memref<40x128xi32, #tpu.memory_space<vmem>> -> memref<1x128xi32, #tpu.memory_space<vmem>>
        %dma_start3A_129 = tpu.memref_squeeze %dma_start3A_128 : memref<1x128xi32, #tpu.memory_space<vmem>> -> memref<128xi32, #tpu.memory_space<vmem>>
        %dma_start3A_130 = arith.constant 0 : i32
        %dma_start3A_131 = arith.constant 0 : i32
        %dma_start3A_132 = tpu.memref_slice %arg10[%dma_start3A_130, %dma_start3A_131] : memref<10240x128xf32, #tpu.memory_space<vmem_shared>> -> memref<10240x128xf32, #tpu.memory_space<vmem_shared>>
        tpu.enqueue_indirect_dma source(%dma_start3A_126 : memref<128x128xf32, #tpu.memory_space<vmem>>) target(%dma_start3A_132 : memref<10240x128xf32, #tpu.memory_space<vmem_shared>>) offsets(%dma_start3A_129 : memref<128xi32, #tpu.memory_space<vmem>>) semaphore(%arg14 : memref<!tpu.dma_semaphore, #tpu.memory_space<semaphore_mem>>) {add = true}
      } else {
      }
    }
    %scan3A_50 = arith.constant 40 : i32
    %dma_wait3A_51 = arith.constant 1 : i32
    %dma_wait3A_52 = arith.constant 39 : i32
    %dma_wait3A_53 = arith.constant 0 : i32
    %dma_wait3A_54 = arith.constant 0 : i32
    %dma_wait3A_55 = tpu.memref_slice %arg9[%dma_wait3A_51, %dma_wait3A_53, %dma_wait3A_54] : memref<2x128x128xf32, #tpu.memory_space<vmem>> -> memref<1x128x128xf32, #tpu.memory_space<vmem>>
    %dma_wait3A_56 = tpu.memref_squeeze %dma_wait3A_55 : memref<1x128x128xf32, #tpu.memory_space<vmem>> -> memref<128x128xf32, #tpu.memory_space<vmem>>
    %dma_wait3A_57 = arith.constant 0 : i32
    %dma_wait3A_58 = tpu.memref_slice %arg8[%dma_wait3A_52, %dma_wait3A_57] : memref<40x128xi32, #tpu.memory_space<vmem>> -> memref<1x128xi32, #tpu.memory_space<vmem>>
    %dma_wait3A_59 = tpu.memref_squeeze %dma_wait3A_58 : memref<1x128xi32, #tpu.memory_space<vmem>> -> memref<128xi32, #tpu.memory_space<vmem>>
    %dma_wait3A_60 = arith.constant 0 : i32
    %dma_wait3A_61 = arith.constant 0 : i32
    %dma_wait3A_62 = tpu.memref_slice %arg10[%dma_wait3A_60, %dma_wait3A_61] : memref<10240x128xf32, #tpu.memory_space<vmem_shared>> -> memref<10240x128xf32, #tpu.memory_space<vmem_shared>>
    tpu.wait_indirect_dma semaphore(%arg14 : memref<!tpu.dma_semaphore, #tpu.memory_space<semaphore_mem>>) src(%dma_wait3A_56 : memref<128x128xf32, #tpu.memory_space<vmem>>) dst(%dma_wait3A_62 : memref<10240x128xf32, #tpu.memory_space<vmem_shared>>)
    %barrier3A_63 = arith.constant 0 : index
    tpu.barrier barrier_id(%barrier3A_63)
    %mul3A_64 = arith.constant 640 : i32
    %mul3A_65 = arith.muli %arg1, %mul3A_64 : i32
    "tpu.region"() ({
      %run_scoped3A_66 = tpu.sem_alloc : memref<!tpu.dma_semaphore, #tpu.memory_space<semaphore_mem>>
      %dma_start3A_67 = arith.constant 0 : i32
      %dma_start3A_68 = tpu.memref_slice %arg6[%arg0, %mul3A_65, %dma_start3A_67] : memref<2x10240x128xf32, #tpu.memory_space<hbm>> -> memref<1x640x128xf32, #tpu.memory_space<hbm>>
      %dma_start3A_69 = tpu.memref_squeeze %dma_start3A_68 : memref<1x640x128xf32, #tpu.memory_space<hbm>> -> memref<640x128xf32, #tpu.memory_space<hbm>>
      %dma_start3A_70 = arith.constant 0 : i32
      %dma_start3A_71 = tpu.memref_slice %arg10[%mul3A_65, %dma_start3A_70] : memref<10240x128xf32, #tpu.memory_space<vmem_shared>> -> memref<640x128xf32, #tpu.memory_space<vmem_shared>>
      tpu.enqueue_dma source(%dma_start3A_71 : memref<640x128xf32, #tpu.memory_space<vmem_shared>>) target(%dma_start3A_69 : memref<640x128xf32, #tpu.memory_space<hbm>>) target_semaphore(%run_scoped3A_66 : memref<!tpu.dma_semaphore, #tpu.memory_space<semaphore_mem>>)
      %dma_wait3A_72 = arith.constant 0 : i32
      %dma_wait3A_73 = tpu.memref_slice %arg6[%arg0, %mul3A_65, %dma_wait3A_72] : memref<2x10240x128xf32, #tpu.memory_space<hbm>> -> memref<1x640x128xf32, #tpu.memory_space<hbm>>
      %dma_wait3A_74 = tpu.memref_squeeze %dma_wait3A_73 : memref<1x640x128xf32, #tpu.memory_space<hbm>> -> memref<640x128xf32, #tpu.memory_space<hbm>>
      %dma_wait3A_75 = arith.constant 0 : i32
      %dma_wait3A_76 = tpu.memref_slice %arg10[%mul3A_65, %dma_wait3A_75] : memref<10240x128xf32, #tpu.memory_space<vmem_shared>> -> memref<640x128xf32, #tpu.memory_space<vmem_shared>>
      tpu.wait_dma2 semaphore(%run_scoped3A_66 : memref<!tpu.dma_semaphore, #tpu.memory_space<semaphore_mem>>) src(%dma_wait3A_76 : memref<640x128xf32, #tpu.memory_space<vmem_shared>>) dst(%dma_wait3A_74 : memref<640x128xf32, #tpu.memory_space<hbm>>)
      tpu.yield
    }) : () -> ()
    return
  }
}

#map = affine_map<(d0, d1) -> (0, 0, 0)>
#map1 = affine_map<(d0, d1) -> (0, 0)>
module attributes {stable_mosaic.version = 14 : i64} {
  func.func @_deg_body(%arg0: i32, %arg1: i32, %arg2: memref<32x125x80xi32, #tpu.memory_space<hbm>>, %arg3: memref<80x128xf32, #tpu.memory_space<hbm>>, %arg4: memref<640x128xf32, #tpu.memory_space<hbm>>, %arg5: memref<2x10240x128xf32, #tpu.memory_space<hbm>>, %arg6: memref<125x80xi32, #tpu.memory_space<vmem>>, %arg7: memref<80x128xf32, #tpu.memory_space<vmem>>, %arg8: memref<10240x128xf32, #tpu.memory_space<vmem_shared>>, %arg9: memref<!tpu.dma_semaphore, #tpu.memory_space<semaphore_mem>>) attributes {dimension_semantics = [#tpu.dimension_semantics<core_parallel>, #tpu.dimension_semantics<subcore_parallel>], iteration_bounds = array<i64: 2, 16>, scalar_prefetch = 0 : i64, scratch_operands = 4 : i64, tpu.core_type = #tpu.core_type<sc_vector_subcore>, window_params = [{transform_indices = #map}, {transform_indices = #map1}, {transform_indices = #map1}, {transform_indices = #map}]} {
    %mul3A = arith.constant 16 : i32
    %mul3A_0 = arith.muli %arg0, %mul3A : i32
    %add3A = arith.addi %mul3A_0, %arg1 : i32
    %mul3A_1 = arith.constant 640 : i32
    %mul3A_2 = arith.muli %arg1, %mul3A_1 : i32
    "tpu.region"() ({
      %run_scoped3A = tpu.sem_alloc : memref<!tpu.dma_semaphore, #tpu.memory_space<semaphore_mem>>
      %dma_start3A_121 = arith.constant 0 : i32
      %dma_start3A_122 = tpu.memref_slice %arg8[%mul3A_2, %dma_start3A_121] : memref<10240x128xf32, #tpu.memory_space<vmem_shared>> -> memref<640x128xf32, #tpu.memory_space<vmem_shared>>
      tpu.enqueue_dma source(%arg4 : memref<640x128xf32, #tpu.memory_space<hbm>>) target(%dma_start3A_122 : memref<640x128xf32, #tpu.memory_space<vmem_shared>>) target_semaphore(%run_scoped3A : memref<!tpu.dma_semaphore, #tpu.memory_space<semaphore_mem>>)
      %dma_wait3A_123 = arith.constant 0 : i32
      %dma_wait3A_124 = tpu.memref_slice %arg8[%mul3A_2, %dma_wait3A_123] : memref<10240x128xf32, #tpu.memory_space<vmem_shared>> -> memref<640x128xf32, #tpu.memory_space<vmem_shared>>
      tpu.wait_dma2 semaphore(%run_scoped3A : memref<!tpu.dma_semaphore, #tpu.memory_space<semaphore_mem>>) src(%arg4 : memref<640x128xf32, #tpu.memory_space<hbm>>) dst(%dma_wait3A_124 : memref<640x128xf32, #tpu.memory_space<vmem_shared>>)
      tpu.yield
    }) : () -> ()
    "tpu.region"() ({
      %run_scoped3A = tpu.sem_alloc : memref<!tpu.dma_semaphore, #tpu.memory_space<semaphore_mem>>
      %dma_start3A_121 = arith.constant 0 : i32
      %dma_start3A_122 = arith.constant 0 : i32
      %dma_start3A_123 = tpu.memref_slice %arg2[%add3A, %dma_start3A_121, %dma_start3A_122] : memref<32x125x80xi32, #tpu.memory_space<hbm>> -> memref<1x125x80xi32, #tpu.memory_space<hbm>>
      %dma_start3A_124 = tpu.memref_squeeze %dma_start3A_123 : memref<1x125x80xi32, #tpu.memory_space<hbm>> -> memref<125x80xi32, #tpu.memory_space<hbm>>
      %dma_start3A_125 = arith.constant 0 : i32
      %dma_start3A_126 = arith.constant 0 : i32
      %dma_start3A_127 = tpu.memref_slice %arg2[%add3A, %dma_start3A_125, %dma_start3A_126] : memref<32x125x80xi32, #tpu.memory_space<hbm>> -> memref<1x125x80xi32, #tpu.memory_space<hbm>>
      %dma_start3A_128 = tpu.memref_squeeze %dma_start3A_127 : memref<1x125x80xi32, #tpu.memory_space<hbm>> -> memref<125x80xi32, #tpu.memory_space<hbm>>
      tpu.enqueue_dma source(%dma_start3A_128 : memref<125x80xi32, #tpu.memory_space<hbm>>) target(%arg6 : memref<125x80xi32, #tpu.memory_space<vmem>>) target_semaphore(%run_scoped3A : memref<!tpu.dma_semaphore, #tpu.memory_space<semaphore_mem>>)
      %dma_wait3A_129 = arith.constant 0 : i32
      %dma_wait3A_130 = arith.constant 0 : i32
      %dma_wait3A_131 = tpu.memref_slice %arg2[%add3A, %dma_wait3A_129, %dma_wait3A_130] : memref<32x125x80xi32, #tpu.memory_space<hbm>> -> memref<1x125x80xi32, #tpu.memory_space<hbm>>
      %dma_wait3A_132 = tpu.memref_squeeze %dma_wait3A_131 : memref<1x125x80xi32, #tpu.memory_space<hbm>> -> memref<125x80xi32, #tpu.memory_space<hbm>>
      %dma_wait3A_133 = arith.constant 0 : i32
      %dma_wait3A_134 = arith.constant 0 : i32
      %dma_wait3A_135 = tpu.memref_slice %arg2[%add3A, %dma_wait3A_133, %dma_wait3A_134] : memref<32x125x80xi32, #tpu.memory_space<hbm>> -> memref<1x125x80xi32, #tpu.memory_space<hbm>>
      %dma_wait3A_136 = tpu.memref_squeeze %dma_wait3A_135 : memref<1x125x80xi32, #tpu.memory_space<hbm>> -> memref<125x80xi32, #tpu.memory_space<hbm>>
      tpu.wait_dma2 semaphore(%run_scoped3A : memref<!tpu.dma_semaphore, #tpu.memory_space<semaphore_mem>>) src(%dma_wait3A_136 : memref<125x80xi32, #tpu.memory_space<hbm>>) dst(%arg6 : memref<125x80xi32, #tpu.memory_space<vmem>>)
      tpu.yield
    }) : () -> ()
    "tpu.region"() ({
      %run_scoped3A = tpu.sem_alloc : memref<!tpu.dma_semaphore, #tpu.memory_space<semaphore_mem>>
      tpu.enqueue_dma source(%arg3 : memref<80x128xf32, #tpu.memory_space<hbm>>) target(%arg7 : memref<80x128xf32, #tpu.memory_space<vmem>>) target_semaphore(%run_scoped3A : memref<!tpu.dma_semaphore, #tpu.memory_space<semaphore_mem>>)
      tpu.wait_dma2 semaphore(%run_scoped3A : memref<!tpu.dma_semaphore, #tpu.memory_space<semaphore_mem>>) src(%arg3 : memref<80x128xf32, #tpu.memory_space<hbm>>) dst(%arg7 : memref<80x128xf32, #tpu.memory_space<vmem>>)
      tpu.yield
    }) : () -> ()
    %barrier3A = arith.constant 0 : index
    tpu.barrier barrier_id(%barrier3A)
    %dma_start3A = arith.constant 0 : i32
    %dma_start3A_3 = arith.constant 0 : i32
    %dma_start3A_4 = tpu.memref_slice %arg6[%dma_start3A, %dma_start3A_3] : memref<125x80xi32, #tpu.memory_space<vmem>> -> memref<1x80xi32, #tpu.memory_space<vmem>>
    %dma_start3A_5 = tpu.memref_squeeze %dma_start3A_4 : memref<1x80xi32, #tpu.memory_space<vmem>> -> memref<80xi32, #tpu.memory_space<vmem>>
    %dma_start3A_6 = arith.constant 0 : i32
    %dma_start3A_7 = arith.constant 0 : i32
    %dma_start3A_8 = tpu.memref_slice %arg8[%dma_start3A_6, %dma_start3A_7] : memref<10240x128xf32, #tpu.memory_space<vmem_shared>> -> memref<10240x128xf32, #tpu.memory_space<vmem_shared>>
    tpu.enqueue_indirect_dma source(%arg7 : memref<80x128xf32, #tpu.memory_space<vmem>>) target(%dma_start3A_8 : memref<10240x128xf32, #tpu.memory_space<vmem_shared>>) offsets(%dma_start3A_5 : memref<80xi32, #tpu.memory_space<vmem>>) semaphore(%arg9 : memref<!tpu.dma_semaphore, #tpu.memory_space<semaphore_mem>>) {add = true}
    %dma_start3A_9 = arith.constant 1 : i32
    %dma_start3A_10 = arith.constant 0 : i32
    %dma_start3A_11 = tpu.memref_slice %arg6[%dma_start3A_9, %dma_start3A_10] : memref<125x80xi32, #tpu.memory_space<vmem>> -> memref<1x80xi32, #tpu.memory_space<vmem>>
    %dma_start3A_12 = tpu.memref_squeeze %dma_start3A_11 : memref<1x80xi32, #tpu.memory_space<vmem>> -> memref<80xi32, #tpu.memory_space<vmem>>
    %dma_start3A_13 = arith.constant 0 : i32
    %dma_start3A_14 = arith.constant 0 : i32
    %dma_start3A_15 = tpu.memref_slice %arg8[%dma_start3A_13, %dma_start3A_14] : memref<10240x128xf32, #tpu.memory_space<vmem_shared>> -> memref<10240x128xf32, #tpu.memory_space<vmem_shared>>
    tpu.enqueue_indirect_dma source(%arg7 : memref<80x128xf32, #tpu.memory_space<vmem>>) target(%dma_start3A_15 : memref<10240x128xf32, #tpu.memory_space<vmem_shared>>) offsets(%dma_start3A_12 : memref<80xi32, #tpu.memory_space<vmem>>) semaphore(%arg9 : memref<!tpu.dma_semaphore, #tpu.memory_space<semaphore_mem>>) {add = true}
    %dma_start3A_16 = arith.constant 2 : i32
    %dma_start3A_17 = arith.constant 0 : i32
    %dma_start3A_18 = tpu.memref_slice %arg6[%dma_start3A_16, %dma_start3A_17] : memref<125x80xi32, #tpu.memory_space<vmem>> -> memref<1x80xi32, #tpu.memory_space<vmem>>
    %dma_start3A_19 = tpu.memref_squeeze %dma_start3A_18 : memref<1x80xi32, #tpu.memory_space<vmem>> -> memref<80xi32, #tpu.memory_space<vmem>>
    %dma_start3A_20 = arith.constant 0 : i32
    %dma_start3A_21 = arith.constant 0 : i32
    %dma_start3A_22 = tpu.memref_slice %arg8[%dma_start3A_20, %dma_start3A_21] : memref<10240x128xf32, #tpu.memory_space<vmem_shared>> -> memref<10240x128xf32, #tpu.memory_space<vmem_shared>>
    tpu.enqueue_indirect_dma source(%arg7 : memref<80x128xf32, #tpu.memory_space<vmem>>) target(%dma_start3A_22 : memref<10240x128xf32, #tpu.memory_space<vmem_shared>>) offsets(%dma_start3A_19 : memref<80xi32, #tpu.memory_space<vmem>>) semaphore(%arg9 : memref<!tpu.dma_semaphore, #tpu.memory_space<semaphore_mem>>) {add = true}
    %dma_start3A_23 = arith.constant 3 : i32
    %dma_start3A_24 = arith.constant 0 : i32
    %dma_start3A_25 = tpu.memref_slice %arg6[%dma_start3A_23, %dma_start3A_24] : memref<125x80xi32, #tpu.memory_space<vmem>> -> memref<1x80xi32, #tpu.memory_space<vmem>>
    %dma_start3A_26 = tpu.memref_squeeze %dma_start3A_25 : memref<1x80xi32, #tpu.memory_space<vmem>> -> memref<80xi32, #tpu.memory_space<vmem>>
    %dma_start3A_27 = arith.constant 0 : i32
    %dma_start3A_28 = arith.constant 0 : i32
    %dma_start3A_29 = tpu.memref_slice %arg8[%dma_start3A_27, %dma_start3A_28] : memref<10240x128xf32, #tpu.memory_space<vmem_shared>> -> memref<10240x128xf32, #tpu.memory_space<vmem_shared>>
    tpu.enqueue_indirect_dma source(%arg7 : memref<80x128xf32, #tpu.memory_space<vmem>>) target(%dma_start3A_29 : memref<10240x128xf32, #tpu.memory_space<vmem_shared>>) offsets(%dma_start3A_26 : memref<80xi32, #tpu.memory_space<vmem>>) semaphore(%arg9 : memref<!tpu.dma_semaphore, #tpu.memory_space<semaphore_mem>>) {add = true}
    %dma_start3A_30 = arith.constant 4 : i32
    %dma_start3A_31 = arith.constant 0 : i32
    %dma_start3A_32 = tpu.memref_slice %arg6[%dma_start3A_30, %dma_start3A_31] : memref<125x80xi32, #tpu.memory_space<vmem>> -> memref<1x80xi32, #tpu.memory_space<vmem>>
    %dma_start3A_33 = tpu.memref_squeeze %dma_start3A_32 : memref<1x80xi32, #tpu.memory_space<vmem>> -> memref<80xi32, #tpu.memory_space<vmem>>
    %dma_start3A_34 = arith.constant 0 : i32
    %dma_start3A_35 = arith.constant 0 : i32
    %dma_start3A_36 = tpu.memref_slice %arg8[%dma_start3A_34, %dma_start3A_35] : memref<10240x128xf32, #tpu.memory_space<vmem_shared>> -> memref<10240x128xf32, #tpu.memory_space<vmem_shared>>
    tpu.enqueue_indirect_dma source(%arg7 : memref<80x128xf32, #tpu.memory_space<vmem>>) target(%dma_start3A_36 : memref<10240x128xf32, #tpu.memory_space<vmem_shared>>) offsets(%dma_start3A_33 : memref<80xi32, #tpu.memory_space<vmem>>) semaphore(%arg9 : memref<!tpu.dma_semaphore, #tpu.memory_space<semaphore_mem>>) {add = true}
    %dma_start3A_37 = arith.constant 5 : i32
    %dma_start3A_38 = arith.constant 0 : i32
    %dma_start3A_39 = tpu.memref_slice %arg6[%dma_start3A_37, %dma_start3A_38] : memref<125x80xi32, #tpu.memory_space<vmem>> -> memref<1x80xi32, #tpu.memory_space<vmem>>
    %dma_start3A_40 = tpu.memref_squeeze %dma_start3A_39 : memref<1x80xi32, #tpu.memory_space<vmem>> -> memref<80xi32, #tpu.memory_space<vmem>>
    %dma_start3A_41 = arith.constant 0 : i32
    %dma_start3A_42 = arith.constant 0 : i32
    %dma_start3A_43 = tpu.memref_slice %arg8[%dma_start3A_41, %dma_start3A_42] : memref<10240x128xf32, #tpu.memory_space<vmem_shared>> -> memref<10240x128xf32, #tpu.memory_space<vmem_shared>>
    tpu.enqueue_indirect_dma source(%arg7 : memref<80x128xf32, #tpu.memory_space<vmem>>) target(%dma_start3A_43 : memref<10240x128xf32, #tpu.memory_space<vmem_shared>>) offsets(%dma_start3A_40 : memref<80xi32, #tpu.memory_space<vmem>>) semaphore(%arg9 : memref<!tpu.dma_semaphore, #tpu.memory_space<semaphore_mem>>) {add = true}
    %dma_start3A_44 = arith.constant 6 : i32
    %dma_start3A_45 = arith.constant 0 : i32
    %dma_start3A_46 = tpu.memref_slice %arg6[%dma_start3A_44, %dma_start3A_45] : memref<125x80xi32, #tpu.memory_space<vmem>> -> memref<1x80xi32, #tpu.memory_space<vmem>>
    %dma_start3A_47 = tpu.memref_squeeze %dma_start3A_46 : memref<1x80xi32, #tpu.memory_space<vmem>> -> memref<80xi32, #tpu.memory_space<vmem>>
    %dma_start3A_48 = arith.constant 0 : i32
    %dma_start3A_49 = arith.constant 0 : i32
    %dma_start3A_50 = tpu.memref_slice %arg8[%dma_start3A_48, %dma_start3A_49] : memref<10240x128xf32, #tpu.memory_space<vmem_shared>> -> memref<10240x128xf32, #tpu.memory_space<vmem_shared>>
    tpu.enqueue_indirect_dma source(%arg7 : memref<80x128xf32, #tpu.memory_space<vmem>>) target(%dma_start3A_50 : memref<10240x128xf32, #tpu.memory_space<vmem_shared>>) offsets(%dma_start3A_47 : memref<80xi32, #tpu.memory_space<vmem>>) semaphore(%arg9 : memref<!tpu.dma_semaphore, #tpu.memory_space<semaphore_mem>>) {add = true}
    %dma_start3A_51 = arith.constant 7 : i32
    %dma_start3A_52 = arith.constant 0 : i32
    %dma_start3A_53 = tpu.memref_slice %arg6[%dma_start3A_51, %dma_start3A_52] : memref<125x80xi32, #tpu.memory_space<vmem>> -> memref<1x80xi32, #tpu.memory_space<vmem>>
    %dma_start3A_54 = tpu.memref_squeeze %dma_start3A_53 : memref<1x80xi32, #tpu.memory_space<vmem>> -> memref<80xi32, #tpu.memory_space<vmem>>
    %dma_start3A_55 = arith.constant 0 : i32
    %dma_start3A_56 = arith.constant 0 : i32
    %dma_start3A_57 = tpu.memref_slice %arg8[%dma_start3A_55, %dma_start3A_56] : memref<10240x128xf32, #tpu.memory_space<vmem_shared>> -> memref<10240x128xf32, #tpu.memory_space<vmem_shared>>
    tpu.enqueue_indirect_dma source(%arg7 : memref<80x128xf32, #tpu.memory_space<vmem>>) target(%dma_start3A_57 : memref<10240x128xf32, #tpu.memory_space<vmem_shared>>) offsets(%dma_start3A_54 : memref<80xi32, #tpu.memory_space<vmem>>) semaphore(%arg9 : memref<!tpu.dma_semaphore, #tpu.memory_space<semaphore_mem>>) {add = true}
    %scan3A = arith.constant 0 : i32
    %scan3A_58 = arith.constant 8 : i32
    %scan3A_59 = arith.constant 117 : i32
    %scan3A_60 = arith.addi %scan3A_58, %scan3A_59 : i32
    %scan3A_61 = arith.constant 1 : i32
    scf.for %scan3A_121 = %scan3A_58 to %scan3A_60 step %scan3A_61  : i32 {
      %dma_wait3A_122 = arith.constant 0 : i32
      %dma_wait3A_123 = arith.constant 0 : i32
      %dma_wait3A_124 = tpu.memref_slice %arg6[%dma_wait3A_122, %dma_wait3A_123] : memref<125x80xi32, #tpu.memory_space<vmem>> -> memref<1x80xi32, #tpu.memory_space<vmem>>
      %dma_wait3A_125 = tpu.memref_squeeze %dma_wait3A_124 : memref<1x80xi32, #tpu.memory_space<vmem>> -> memref<80xi32, #tpu.memory_space<vmem>>
      %dma_wait3A_126 = arith.constant 0 : i32
      %dma_wait3A_127 = arith.constant 0 : i32
      %dma_wait3A_128 = tpu.memref_slice %arg8[%dma_wait3A_126, %dma_wait3A_127] : memref<10240x128xf32, #tpu.memory_space<vmem_shared>> -> memref<10240x128xf32, #tpu.memory_space<vmem_shared>>
      tpu.wait_indirect_dma semaphore(%arg9 : memref<!tpu.dma_semaphore, #tpu.memory_space<semaphore_mem>>) src(%arg7 : memref<80x128xf32, #tpu.memory_space<vmem>>) dst(%dma_wait3A_128 : memref<10240x128xf32, #tpu.memory_space<vmem_shared>>)
      %dma_start3A_129 = arith.constant 0 : i32
      %dma_start3A_130 = tpu.memref_slice %arg6[%scan3A_121, %dma_start3A_129] : memref<125x80xi32, #tpu.memory_space<vmem>> -> memref<1x80xi32, #tpu.memory_space<vmem>>
      %dma_start3A_131 = tpu.memref_squeeze %dma_start3A_130 : memref<1x80xi32, #tpu.memory_space<vmem>> -> memref<80xi32, #tpu.memory_space<vmem>>
      %dma_start3A_132 = arith.constant 0 : i32
      %dma_start3A_133 = arith.constant 0 : i32
      %dma_start3A_134 = tpu.memref_slice %arg8[%dma_start3A_132, %dma_start3A_133] : memref<10240x128xf32, #tpu.memory_space<vmem_shared>> -> memref<10240x128xf32, #tpu.memory_space<vmem_shared>>
      tpu.enqueue_indirect_dma source(%arg7 : memref<80x128xf32, #tpu.memory_space<vmem>>) target(%dma_start3A_134 : memref<10240x128xf32, #tpu.memory_space<vmem_shared>>) offsets(%dma_start3A_131 : memref<80xi32, #tpu.memory_space<vmem>>) semaphore(%arg9 : memref<!tpu.dma_semaphore, #tpu.memory_space<semaphore_mem>>) {add = true}
    }
    %scan3A_62 = arith.constant 117 : i32
    %dma_wait3A = arith.constant 0 : i32
    %dma_wait3A_63 = arith.constant 0 : i32
    %dma_wait3A_64 = tpu.memref_slice %arg6[%dma_wait3A, %dma_wait3A_63] : memref<125x80xi32, #tpu.memory_space<vmem>> -> memref<1x80xi32, #tpu.memory_space<vmem>>
    %dma_wait3A_65 = tpu.memref_squeeze %dma_wait3A_64 : memref<1x80xi32, #tpu.memory_space<vmem>> -> memref<80xi32, #tpu.memory_space<vmem>>
    %dma_wait3A_66 = arith.constant 0 : i32
    %dma_wait3A_67 = arith.constant 0 : i32
    %dma_wait3A_68 = tpu.memref_slice %arg8[%dma_wait3A_66, %dma_wait3A_67] : memref<10240x128xf32, #tpu.memory_space<vmem_shared>> -> memref<10240x128xf32, #tpu.memory_space<vmem_shared>>
    tpu.wait_indirect_dma semaphore(%arg9 : memref<!tpu.dma_semaphore, #tpu.memory_space<semaphore_mem>>) src(%arg7 : memref<80x128xf32, #tpu.memory_space<vmem>>) dst(%dma_wait3A_68 : memref<10240x128xf32, #tpu.memory_space<vmem_shared>>)
    %dma_wait3A_69 = arith.constant 0 : i32
    %dma_wait3A_70 = arith.constant 0 : i32
    %dma_wait3A_71 = tpu.memref_slice %arg6[%dma_wait3A_69, %dma_wait3A_70] : memref<125x80xi32, #tpu.memory_space<vmem>> -> memref<1x80xi32, #tpu.memory_space<vmem>>
    %dma_wait3A_72 = tpu.memref_squeeze %dma_wait3A_71 : memref<1x80xi32, #tpu.memory_space<vmem>> -> memref<80xi32, #tpu.memory_space<vmem>>
    %dma_wait3A_73 = arith.constant 0 : i32
    %dma_wait3A_74 = arith.constant 0 : i32
    %dma_wait3A_75 = tpu.memref_slice %arg8[%dma_wait3A_73, %dma_wait3A_74] : memref<10240x128xf32, #tpu.memory_space<vmem_shared>> -> memref<10240x128xf32, #tpu.memory_space<vmem_shared>>
    tpu.wait_indirect_dma semaphore(%arg9 : memref<!tpu.dma_semaphore, #tpu.memory_space<semaphore_mem>>) src(%arg7 : memref<80x128xf32, #tpu.memory_space<vmem>>) dst(%dma_wait3A_75 : memref<10240x128xf32, #tpu.memory_space<vmem_shared>>)
    %dma_wait3A_76 = arith.constant 0 : i32
    %dma_wait3A_77 = arith.constant 0 : i32
    %dma_wait3A_78 = tpu.memref_slice %arg6[%dma_wait3A_76, %dma_wait3A_77] : memref<125x80xi32, #tpu.memory_space<vmem>> -> memref<1x80xi32, #tpu.memory_space<vmem>>
    %dma_wait3A_79 = tpu.memref_squeeze %dma_wait3A_78 : memref<1x80xi32, #tpu.memory_space<vmem>> -> memref<80xi32, #tpu.memory_space<vmem>>
    %dma_wait3A_80 = arith.constant 0 : i32
    %dma_wait3A_81 = arith.constant 0 : i32
    %dma_wait3A_82 = tpu.memref_slice %arg8[%dma_wait3A_80, %dma_wait3A_81] : memref<10240x128xf32, #tpu.memory_space<vmem_shared>> -> memref<10240x128xf32, #tpu.memory_space<vmem_shared>>
    tpu.wait_indirect_dma semaphore(%arg9 : memref<!tpu.dma_semaphore, #tpu.memory_space<semaphore_mem>>) src(%arg7 : memref<80x128xf32, #tpu.memory_space<vmem>>) dst(%dma_wait3A_82 : memref<10240x128xf32, #tpu.memory_space<vmem_shared>>)
    %dma_wait3A_83 = arith.constant 0 : i32
    %dma_wait3A_84 = arith.constant 0 : i32
    %dma_wait3A_85 = tpu.memref_slice %arg6[%dma_wait3A_83, %dma_wait3A_84] : memref<125x80xi32, #tpu.memory_space<vmem>> -> memref<1x80xi32, #tpu.memory_space<vmem>>
    %dma_wait3A_86 = tpu.memref_squeeze %dma_wait3A_85 : memref<1x80xi32, #tpu.memory_space<vmem>> -> memref<80xi32, #tpu.memory_space<vmem>>
    %dma_wait3A_87 = arith.constant 0 : i32
    %dma_wait3A_88 = arith.constant 0 : i32
    %dma_wait3A_89 = tpu.memref_slice %arg8[%dma_wait3A_87, %dma_wait3A_88] : memref<10240x128xf32, #tpu.memory_space<vmem_shared>> -> memref<10240x128xf32, #tpu.memory_space<vmem_shared>>
    tpu.wait_indirect_dma semaphore(%arg9 : memref<!tpu.dma_semaphore, #tpu.memory_space<semaphore_mem>>) src(%arg7 : memref<80x128xf32, #tpu.memory_space<vmem>>) dst(%dma_wait3A_89 : memref<10240x128xf32, #tpu.memory_space<vmem_shared>>)
    %dma_wait3A_90 = arith.constant 0 : i32
    %dma_wait3A_91 = arith.constant 0 : i32
    %dma_wait3A_92 = tpu.memref_slice %arg6[%dma_wait3A_90, %dma_wait3A_91] : memref<125x80xi32, #tpu.memory_space<vmem>> -> memref<1x80xi32, #tpu.memory_space<vmem>>
    %dma_wait3A_93 = tpu.memref_squeeze %dma_wait3A_92 : memref<1x80xi32, #tpu.memory_space<vmem>> -> memref<80xi32, #tpu.memory_space<vmem>>
    %dma_wait3A_94 = arith.constant 0 : i32
    %dma_wait3A_95 = arith.constant 0 : i32
    %dma_wait3A_96 = tpu.memref_slice %arg8[%dma_wait3A_94, %dma_wait3A_95] : memref<10240x128xf32, #tpu.memory_space<vmem_shared>> -> memref<10240x128xf32, #tpu.memory_space<vmem_shared>>
    tpu.wait_indirect_dma semaphore(%arg9 : memref<!tpu.dma_semaphore, #tpu.memory_space<semaphore_mem>>) src(%arg7 : memref<80x128xf32, #tpu.memory_space<vmem>>) dst(%dma_wait3A_96 : memref<10240x128xf32, #tpu.memory_space<vmem_shared>>)
    %dma_wait3A_97 = arith.constant 0 : i32
    %dma_wait3A_98 = arith.constant 0 : i32
    %dma_wait3A_99 = tpu.memref_slice %arg6[%dma_wait3A_97, %dma_wait3A_98] : memref<125x80xi32, #tpu.memory_space<vmem>> -> memref<1x80xi32, #tpu.memory_space<vmem>>
    %dma_wait3A_100 = tpu.memref_squeeze %dma_wait3A_99 : memref<1x80xi32, #tpu.memory_space<vmem>> -> memref<80xi32, #tpu.memory_space<vmem>>
    %dma_wait3A_101 = arith.constant 0 : i32
    %dma_wait3A_102 = arith.constant 0 : i32
    %dma_wait3A_103 = tpu.memref_slice %arg8[%dma_wait3A_101, %dma_wait3A_102] : memref<10240x128xf32, #tpu.memory_space<vmem_shared>> -> memref<10240x128xf32, #tpu.memory_space<vmem_shared>>
    tpu.wait_indirect_dma semaphore(%arg9 : memref<!tpu.dma_semaphore, #tpu.memory_space<semaphore_mem>>) src(%arg7 : memref<80x128xf32, #tpu.memory_space<vmem>>) dst(%dma_wait3A_103 : memref<10240x128xf32, #tpu.memory_space<vmem_shared>>)
    %dma_wait3A_104 = arith.constant 0 : i32
    %dma_wait3A_105 = arith.constant 0 : i32
    %dma_wait3A_106 = tpu.memref_slice %arg6[%dma_wait3A_104, %dma_wait3A_105] : memref<125x80xi32, #tpu.memory_space<vmem>> -> memref<1x80xi32, #tpu.memory_space<vmem>>
    %dma_wait3A_107 = tpu.memref_squeeze %dma_wait3A_106 : memref<1x80xi32, #tpu.memory_space<vmem>> -> memref<80xi32, #tpu.memory_space<vmem>>
    %dma_wait3A_108 = arith.constant 0 : i32
    %dma_wait3A_109 = arith.constant 0 : i32
    %dma_wait3A_110 = tpu.memref_slice %arg8[%dma_wait3A_108, %dma_wait3A_109] : memref<10240x128xf32, #tpu.memory_space<vmem_shared>> -> memref<10240x128xf32, #tpu.memory_space<vmem_shared>>
    tpu.wait_indirect_dma semaphore(%arg9 : memref<!tpu.dma_semaphore, #tpu.memory_space<semaphore_mem>>) src(%arg7 : memref<80x128xf32, #tpu.memory_space<vmem>>) dst(%dma_wait3A_110 : memref<10240x128xf32, #tpu.memory_space<vmem_shared>>)
    %dma_wait3A_111 = arith.constant 0 : i32
    %dma_wait3A_112 = arith.constant 0 : i32
    %dma_wait3A_113 = tpu.memref_slice %arg6[%dma_wait3A_111, %dma_wait3A_112] : memref<125x80xi32, #tpu.memory_space<vmem>> -> memref<1x80xi32, #tpu.memory_space<vmem>>
    %dma_wait3A_114 = tpu.memref_squeeze %dma_wait3A_113 : memref<1x80xi32, #tpu.memory_space<vmem>> -> memref<80xi32, #tpu.memory_space<vmem>>
    %dma_wait3A_115 = arith.constant 0 : i32
    %dma_wait3A_116 = arith.constant 0 : i32
    %dma_wait3A_117 = tpu.memref_slice %arg8[%dma_wait3A_115, %dma_wait3A_116] : memref<10240x128xf32, #tpu.memory_space<vmem_shared>> -> memref<10240x128xf32, #tpu.memory_space<vmem_shared>>
    tpu.wait_indirect_dma semaphore(%arg9 : memref<!tpu.dma_semaphore, #tpu.memory_space<semaphore_mem>>) src(%arg7 : memref<80x128xf32, #tpu.memory_space<vmem>>) dst(%dma_wait3A_117 : memref<10240x128xf32, #tpu.memory_space<vmem_shared>>)
    %barrier3A_118 = arith.constant 0 : index
    tpu.barrier barrier_id(%barrier3A_118)
    %mul3A_119 = arith.constant 640 : i32
    %mul3A_120 = arith.muli %arg1, %mul3A_119 : i32
    "tpu.region"() ({
      %run_scoped3A = tpu.sem_alloc : memref<!tpu.dma_semaphore, #tpu.memory_space<semaphore_mem>>
      %dma_start3A_121 = arith.constant 0 : i32
      %dma_start3A_122 = tpu.memref_slice %arg5[%arg0, %mul3A_120, %dma_start3A_121] : memref<2x10240x128xf32, #tpu.memory_space<hbm>> -> memref<1x640x128xf32, #tpu.memory_space<hbm>>
      %dma_start3A_123 = tpu.memref_squeeze %dma_start3A_122 : memref<1x640x128xf32, #tpu.memory_space<hbm>> -> memref<640x128xf32, #tpu.memory_space<hbm>>
      %dma_start3A_124 = arith.constant 0 : i32
      %dma_start3A_125 = tpu.memref_slice %arg8[%mul3A_120, %dma_start3A_124] : memref<10240x128xf32, #tpu.memory_space<vmem_shared>> -> memref<640x128xf32, #tpu.memory_space<vmem_shared>>
      tpu.enqueue_dma source(%dma_start3A_125 : memref<640x128xf32, #tpu.memory_space<vmem_shared>>) target(%dma_start3A_123 : memref<640x128xf32, #tpu.memory_space<hbm>>) target_semaphore(%run_scoped3A : memref<!tpu.dma_semaphore, #tpu.memory_space<semaphore_mem>>)
      %dma_wait3A_126 = arith.constant 0 : i32
      %dma_wait3A_127 = tpu.memref_slice %arg5[%arg0, %mul3A_120, %dma_wait3A_126] : memref<2x10240x128xf32, #tpu.memory_space<hbm>> -> memref<1x640x128xf32, #tpu.memory_space<hbm>>
      %dma_wait3A_128 = tpu.memref_squeeze %dma_wait3A_127 : memref<1x640x128xf32, #tpu.memory_space<hbm>> -> memref<640x128xf32, #tpu.memory_space<hbm>>
      %dma_wait3A_129 = arith.constant 0 : i32
      %dma_wait3A_130 = tpu.memref_slice %arg8[%mul3A_120, %dma_wait3A_129] : memref<10240x128xf32, #tpu.memory_space<vmem_shared>> -> memref<640x128xf32, #tpu.memory_space<vmem_shared>>
      tpu.wait_dma2 semaphore(%run_scoped3A : memref<!tpu.dma_semaphore, #tpu.memory_space<semaphore_mem>>) src(%dma_wait3A_130 : memref<640x128xf32, #tpu.memory_space<vmem_shared>>) dst(%dma_wait3A_128 : memref<640x128xf32, #tpu.memory_space<hbm>>)
      tpu.yield
    }) : () -> ()
    return
  }
}

module attributes {stable_mosaic.version = 14 : i64} {
  func.func @_mm_body(%arg0: i32, %arg1: memref<1000x128xf32, #tpu.memory_space<vmem>>, %arg2: memref<128x128xf32, #tpu.memory_space<vmem>>, %arg3: memref<2x1000x128xf32, #tpu.memory_space<vmem>>, %arg4: memref<1000x128xf32, #tpu.memory_space<vmem>>, %arg5: memref<1000x1xf32, #tpu.memory_space<vmem>>) attributes {dimension_semantics = [#tpu.dimension_semantics<arbitrary>], iteration_bounds = array<i64: 10>, scalar_prefetch = 0 : i64, scratch_operands = 0 : i64, tpu.core_type = #tpu.core_type<tc>, window_params = [{transform_indices = @transform_0, window_bounds = array<i64: 1000, 128>}, {pipeline_mode = #tpu.pipeline_mode<synchronous>, transform_indices = @transform_1, window_bounds = array<i64: 128, 128>}, {transform_indices = @transform_2, window_bounds = array<i64: 2, 1000, 128>}, {transform_indices = @transform_3, window_bounds = array<i64: 1000, 128>}, {transform_indices = @transform_4, window_bounds = array<i64: 1000, 1>}]} {
    %get3A = arith.constant 0 : index
    %get3A_0 = arith.constant 0 : index
    %get3A_1 = vector.load %arg1[%get3A, %get3A_0] : memref<1000x128xf32, #tpu.memory_space<vmem>>, vector<1000x128xf32>
    %get3A_2 = arith.constant 0 : index
    %get3A_3 = arith.constant 0 : index
    %get3A_4 = vector.load %arg2[%get3A_2, %get3A_3] : memref<128x128xf32, #tpu.memory_space<vmem>>, vector<128x128xf32>
    %dot_general3A = arith.constant dense<0.000000e+00> : vector<1000x128xf32>
    %dot_general3A_5 = tpu.matmul %get3A_1, %get3A_4, %dot_general3A {dimension_numbers = #tpu.dot_dimension_numbers<[1], [0], [0], [1], [0, 0, 1, 1], [], []>, transpose_lhs_hint = false} : vector<1000x128xf32>, vector<128x128xf32>, vector<1000x128xf32> -> vector<1000x128xf32>
    %get3A_6 = arith.constant 0 : index
    %get3A_7 = arith.constant 0 : index
    %get3A_8 = arith.constant 0 : index
    %get3A_9 = vector.load %arg3[%get3A_6, %get3A_7, %get3A_8] : memref<2x1000x128xf32, #tpu.memory_space<vmem>>, vector<1x1000x128xf32>
    %get3A_10 = vector.shape_cast %get3A_9 : vector<1x1000x128xf32> to vector<1000x128xf32>
    %get3A_11 = arith.constant 1 : index
    %get3A_12 = arith.constant 0 : index
    %get3A_13 = arith.constant 0 : index
    %get3A_14 = vector.load %arg3[%get3A_11, %get3A_12, %get3A_13] : memref<2x1000x128xf32, #tpu.memory_space<vmem>>, vector<1x1000x128xf32>
    %get3A_15 = vector.shape_cast %get3A_14 : vector<1x1000x128xf32> to vector<1000x128xf32>
    %add3A = arith.addf %get3A_10, %get3A_15 : vector<1000x128xf32>
    %gt3A = arith.constant 0.000000e+00 : f32
    %gt3A_16 = vector.broadcast %gt3A : f32 to vector<1000x128xf32>
    %gt3A_17 = arith.cmpf ogt, %add3A, %gt3A_16 : vector<1000x128xf32>
    %rsqrt3A = math.rsqrt %add3A : vector<1000x128xf32>
    %jit3A = arith.constant 0.000000e+00 : f32
    %broadcast_in_dim3A = vector.broadcast %jit3A : f32 to vector<1000x128xf32>
    %select_n3A = arith.select %gt3A_17, %rsqrt3A, %broadcast_in_dim3A : vector<1000x128xi1>, vector<1000x128xf32>
    %slice3A = vector.extract_strided_slice %select_n3A {offsets = [0, 0], sizes = [1000, 1], strides = [1, 1]} : vector<1000x128xf32> to vector<1000x1xf32>
    %mul3A = vector.broadcast %slice3A : vector<1000x1xf32> to vector<1000x128xf32>
    %mul3A_18 = arith.mulf %dot_general3A_5, %mul3A : vector<1000x128xf32>
    %swap3A = arith.constant 0 : index
    %swap3A_19 = arith.constant 0 : index
    %swap3A_20 = vector.load %arg4[%swap3A, %swap3A_19] : memref<1000x128xf32, #tpu.memory_space<vmem>>, vector<1000x128xf32>
    tpu.vector_store %arg4[%swap3A, %swap3A_19], %mul3A_18 {strides = array<i32>} : memref<1000x128xf32, #tpu.memory_space<vmem>>, vector<1000x128xf32>,
    %swap3A_21 = arith.constant 0 : index
    %swap3A_22 = arith.constant 0 : index
    %swap3A_23 = vector.load %arg5[%swap3A_21, %swap3A_22] : memref<1000x1xf32, #tpu.memory_space<vmem>>, vector<1000x1xf32>
    tpu.vector_store %arg5[%swap3A_21, %swap3A_22], %slice3A {strides = array<i32>} : memref<1000x1xf32, #tpu.memory_space<vmem>>, vector<1000x1xf32>,
    return
  }
  func.func @transform_0(%arg0: i32) -> (i32, i32) {
    %c0_i32 = arith.constant 0 : i32
    %c0_i32_0 = arith.constant 0 : i32
    return %arg0, %c0_i32 : i32, i32
  }
  func.func @transform_1(%arg0: i32) -> (i32, i32) {
    %c0_i32 = arith.constant 0 : i32
    %c0_i32_0 = arith.constant 0 : i32
    %c0_i32_1 = arith.constant 0 : i32
    return %c0_i32, %c0_i32_0 : i32, i32
  }
  func.func @transform_2(%arg0: i32) -> (i32, i32, i32) {
    %c0_i32 = arith.constant 0 : i32
    %c0_i32_0 = arith.constant 0 : i32
    %c0_i32_1 = arith.constant 0 : i32
    return %c0_i32, %arg0, %c0_i32_0 : i32, i32, i32
  }
  func.func @transform_3(%arg0: i32) -> (i32, i32) {
    %c0_i32 = arith.constant 0 : i32
    %c0_i32_0 = arith.constant 0 : i32
    return %arg0, %c0_i32 : i32, i32
  }
  func.func @transform_4(%arg0: i32) -> (i32, i32) {
    %c0_i32 = arith.constant 0 : i32
    %c0_i32_0 = arith.constant 0 : i32
    return %arg0, %c0_i32 : i32, i32
  }
}

module attributes {stable_mosaic.version = 14 : i64} {
  func.func @_comb_body(%arg0: i32, %arg1: memref<2x1000x128xf32, #tpu.memory_space<vmem>>, %arg2: memref<1000x1xf32, #tpu.memory_space<vmem>>, %arg3: memref<1000x128xf32, #tpu.memory_space<vmem>>) attributes {dimension_semantics = [#tpu.dimension_semantics<arbitrary>], iteration_bounds = array<i64: 10>, scalar_prefetch = 0 : i64, scratch_operands = 0 : i64, tpu.core_type = #tpu.core_type<tc>, window_params = [{transform_indices = @transform_0, window_bounds = array<i64: 2, 1000, 128>}, {transform_indices = @transform_1, window_bounds = array<i64: 1000, 1>}, {transform_indices = @transform_2, window_bounds = array<i64: 1000, 128>}]} {
    %get3A = arith.constant 0 : index
    %get3A_0 = arith.constant 0 : index
    %get3A_1 = arith.constant 0 : index
    %get3A_2 = vector.load %arg1[%get3A, %get3A_0, %get3A_1] : memref<2x1000x128xf32, #tpu.memory_space<vmem>>, vector<1x1000x128xf32>
    %get3A_3 = vector.shape_cast %get3A_2 : vector<1x1000x128xf32> to vector<1000x128xf32>
    %get3A_4 = arith.constant 1 : index
    %get3A_5 = arith.constant 0 : index
    %get3A_6 = arith.constant 0 : index
    %get3A_7 = vector.load %arg1[%get3A_4, %get3A_5, %get3A_6] : memref<2x1000x128xf32, #tpu.memory_space<vmem>>, vector<1x1000x128xf32>
    %get3A_8 = vector.shape_cast %get3A_7 : vector<1x1000x128xf32> to vector<1000x128xf32>
    %add3A = arith.addf %get3A_3, %get3A_8 : vector<1000x128xf32>
    %get3A_9 = arith.constant 0 : index
    %get3A_10 = arith.constant 0 : index
    %get3A_11 = vector.load %arg2[%get3A_9, %get3A_10] : memref<1000x1xf32, #tpu.memory_space<vmem>>, vector<1000x1xf32>
    %mul3A = vector.broadcast %get3A_11 : vector<1000x1xf32> to vector<1000x128xf32>
    %mul3A_12 = arith.mulf %add3A, %mul3A : vector<1000x128xf32>
    %swap3A = arith.constant 0 : index
    %swap3A_13 = arith.constant 0 : index
    %swap3A_14 = vector.load %arg3[%swap3A, %swap3A_13] : memref<1000x128xf32, #tpu.memory_space<vmem>>, vector<1000x128xf32>
    tpu.vector_store %arg3[%swap3A, %swap3A_13], %mul3A_12 {strides = array<i32>} : memref<1000x128xf32, #tpu.memory_space<vmem>>, vector<1000x128xf32>,
    return
  }
  func.func @transform_0(%arg0: i32) -> (i32, i32, i32) {
    %c0_i32 = arith.constant 0 : i32
    %c0_i32_0 = arith.constant 0 : i32
    %c0_i32_1 = arith.constant 0 : i32
    return %c0_i32, %arg0, %c0_i32_0 : i32, i32, i32
  }
  func.func @transform_1(%arg0: i32) -> (i32, i32) {
    %c0_i32 = arith.constant 0 : i32
    %c0_i32_0 = arith.constant 0 : i32
    return %arg0, %c0_i32 : i32, i32
  }
  func.func @transform_2(%arg0: i32) -> (i32, i32) {
    %c0_i32 = arith.constant 0 : i32
    %c0_i32_0 = arith.constant 0 : i32
    return %arg0, %c0_i32 : i32, i32
  }
}

</mosaic_0001>

<sc_bundles>
// kernel: kernel.6.cloned.1.call-start
scs
__scs_entry_jumppad:
0x0: {  	(pc) =	sbr.rel $0x88, $3  }
0x1: {  	(tag) =	ssettag $0x0;
	lr =	simm.s32 $0x1  }
0x2: {  	[smem:$0x3F9E] =	sst lr;
	_ =	strace $0xD0000000  }
0x3: {  	_ = 	snop  }
0x4: {  	_ = 	snop  }
0x5: {  	_ = 	snop  }
0x6: {  	_ = 	snop  }
0x7: {  	_ = 	snop  }
__scs_overlays_trampoline_lowered:
0x8: {  	[smem:$0x3FAD] =	sst s0  }
0x9: {  	[smem:$0x3FAE] =	sst s1  }
0xa: {  	[smem:$0x3FAF] =	sst s2  }
0xb: {  	[smem:$0x3FB0] =	sst s3  }
0xc: {  	[smem:$0x3FB1] =	sst s4  }
0xd: {  	[smem:$0x3FB2] =	sst s5  }
0xe: {  	[smem:$0x3FB3] =	sst s6  }
0xf: {  	[smem:$0x3FB4] =	sst s7  }
0x10: {  	[smem:$0x3FB5] =	sst s8  }
0x11: {  	[smem:$0x3FB6] =	sst s9;
	s0 =	simm.s32 @!p0 $0x0  }
0x12: {  	s1 =	sld [smem:$0x3F9C];
	s0 =	simm.s32 @p0 $0x1  }
0x13: {  	[smem:$0x3FB7] =	sst s0;
	s0 =	simm.s32 @!p1 $0x0  }
0x14: {  	s2 =	sld [smem:$0x3F9B];
	s0 =	simm.s32 @p1 $0x1  }
0x15: {  	[smem:$0x3FB8] =	sst s0;
	s0 =	simm.s32 @!p2 $0x0  }
0x16: {  	s3 =	sld [smem:$0x3FDB];
	s0 =	simm.s32 @p2 $0x1  }
0x17: {  	s4 =	simm.s32 $0x1BF5;
	[smem:$0x3FBA] =	sst s0  }
0x18: {  	s0 =	sld [smem:$0x3F9D];
	_ =	swait.ge [sflag:s4], $0x0  }
0x19: {  	s7 =	sld [smem:$0x3F9E]  }
0x1a: {  	s8 =	sadd.s32 $0xFFFFE003, lr  }
0x1b: {  	s9 =	sadd.s32 $0xFFFFFEF7, lr;
	s5 =	simm.s32 $0xFFFFFFFF;
	p2 =	slt.u32 s8, $0xFFFFF086  }
0x1c: {  	p1 =	slt.u32 s9, $0xF7A;
	s5 =	simm.s32 @!p2 $0x0  }
0x1d: {  	s5 =	simm.s32 @p1 $0x1;
	p0 =	seq.s32 s7, s2  }
0x1e: {  	s7 =	smul.u32 @!p0 $0xF7A, s2;
	p2 =	seq.s32 @!p0 s5, $0x0  }
0x1f: {  	s9 =	smul.u32 $0xF7A, s1;
	s8 =	simm.s32 @!p0 $0x1BF5;
	p2 =	por !p2, p0  }
0x20: {  	[sflag:s8] =	ssyncset.s32 @!p0 $0xFFFFF086;
	s6 =	sadd.s32 @!p0 s3, s7;
	s7 =	simm.s32 @!p0 $0x108  }
0x21: {  	s3 =	sadd.s32 s3, s9;
	s6 =	sadd.s32 @!p0 $0x88, s6;
	s7 =	simm.s32 @p2 $0x1082  }
0x22: {  	[simem:s7], [sflag:s8] =	dma.local @!p0 [hbm:s6], $0xF7A  }
0x23: {  	s9 =	sor.u32 $0xD0000000, s2;
	s6 =	simm.s32 $0x108;
	_ =	swait.ge @!p0 [sflag:s8], $0x0  }
0x24: {  	s3 =	sadd.s32 $0x88, s3;
	s6 =	simm.s32 @!p1 $0x1082;
	[sflag:s4] =	ssyncset.s32 $0xFFFFF086  }
0x25: {  	[simem:s6], [sflag:s4] =	dma.local [hbm:s3], $0xF7A  }
0x26: {  	[smem:$0x3F9E] =	sst s1;
	(tag) =	ssettag s2;
	_ =	strace s9  }
0x27: {  	s1 =	sld [smem:$0x3FAE]  }
0x28: {  	s2 =	sld [smem:$0x3FAF]  }
0x29: {  	s4 =	sld [smem:$0x3FB1]  }
0x2a: {  	p0 =	seq.s32 s5, $0x0;
	s5 =	sld [smem:$0x3FB2]  }
0x2b: {  	s6 =	sld [smem:$0x3FB3]  }
0x2c: {  	s7 =	sld [smem:$0x3FB4]  }
0x2d: {  	s3 =	simm.s32 $0x108;
	s8 =	sld [smem:$0x3FB5]  }
0x2e: {  	s3 =	simm.s32 @!p0 $0x1082;
	s9 =	sld [smem:$0x3FB6]  }
0x2f: {  	lr =	sadd.s32 s0, s3;
	s0 =	sld [smem:$0x3FAD]  }
0x30: {  	s3 =	sld [smem:$0x3FB0]  }
0x31: {  	[smem:$0x3FB9] =	sst s10  }
0x32: {  	s10 =	sld [smem:$0x3FB7];
	_ =	sdelay $0x3  }
0x33: {  	p0 =	seq.s32 s10, $0x1;
	s10 =	sld [smem:$0x3FB9];
	_ =	sdelay $0x3  }
0x34: {  	[smem:$0x3FB9] =	sst s10  }
0x35: {  	s10 =	sld [smem:$0x3FB8];
	_ =	sdelay $0x3  }
0x36: {  	p1 =	seq.s32 s10, $0x1;
	s10 =	sld [smem:$0x3FB9];
	_ =	sdelay $0x3  }
0x37: {  	[smem:$0x3FB9] =	sst s10  }
0x38: {  	s10 =	sld [smem:$0x3FBA]  }
0x39: {  	_ = 	snop;
	(pc) =	sbr.ind lr, $3  }
0x3a: {  	_ = 	snop  }
0x3b: {  	_ = 	snop  }
0x3c: {  	p2 =	seq.s32 s10, $0x1;
	s10 =	sld [smem:$0x3FB9]  }
0x3d: {  	_ =	shalt  }
0x3e: {  	_ =	shalt  }
0x3f: {  	_ =	shalt  }
0x40: {  	_ =	shalt  }
0x41: {  	_ =	shalt  }
0x42: {  	_ =	shalt  }
0x43: {  	_ =	shalt  }
0x44: {  	_ =	shalt  }
0x45: {  	_ =	shalt  }
0x46: {  	_ =	shalt  }
0x47: {  	_ =	shalt  }
0x48: {  	_ =	shalt  }
0x49: {  	_ =	shalt  }
0x4a: {  	_ =	shalt  }
0x4b: {  	_ =	shalt  }
0x4c: {  	_ =	shalt  }
0x4d: {  	_ =	shalt  }
0x4e: {  	_ =	shalt  }
0x4f: {  	_ =	shalt  }
0x50: {  	_ =	shalt  }
0x51: {  	_ =	shalt  }
0x52: {  	_ =	shalt  }
0x53: {  	_ =	shalt  }
0x54: {  	_ =	shalt  }
0x55: {  	_ =	shalt  }
0x56: {  	_ =	shalt  }
0x57: {  	_ =	shalt  }
0x58: {  	_ =	shalt  }
0x59: {  	_ =	shalt  }
0x5a: {  	_ =	shalt  }
0x5b: {  	_ =	shalt  }
0x5c: {  	_ =	shalt  }
0x5d: {  	_ =	shalt  }
0x5e: {  	_ =	shalt  }
0x5f: {  	_ =	shalt  }
0x60: {  	_ =	shalt  }
0x61: {  	_ =	shalt  }
0x62: {  	_ =	shalt  }
0x63: {  	_ =	shalt  }
0x64: {  	_ =	shalt  }
0x65: {  	_ =	shalt  }
0x66: {  	_ =	shalt  }
0x67: {  	_ =	shalt  }
0x68: {  	_ =	shalt  }
0x69: {  	_ =	shalt  }
0x6a: {  	_ =	shalt  }
0x6b: {  	_ =	shalt  }
0x6c: {  	_ =	shalt  }
0x6d: {  	_ =	shalt  }
0x6e: {  	_ =	shalt  }
0x6f: {  	_ =	shalt  }
0x70: {  	_ =	shalt  }
0x71: {  	_ =	shalt  }
0x72: {  	_ =	shalt  }
0x73: {  	_ =	shalt  }
0x74: {  	_ =	shalt  }
0x75: {  	_ =	shalt  }
0x76: {  	_ =	shalt  }
0x77: {  	_ =	shalt  }
0x78: {  	_ =	shalt  }
0x79: {  	_ =	shalt  }
0x7a: {  	_ =	shalt  }
0x7b: {  	_ =	shalt  }
0x7c: {  	_ =	shalt  }
0x7d: {  	_ =	shalt  }
0x7e: {  	_ =	shalt  }
0x7f: {  	_ =	shalt  }
0x80: {  	_ =	shalt  }
0x81: {  	_ =	shalt  }
0x82: {  	_ =	shalt  }
0x83: {  	_ =	shalt  }
0x84: {  	_ =	shalt  }
0x85: {  	_ =	shalt  }
0x86: {  	_ =	shalt  }
0x87: {  	_ =	shalt  }
.Lfunc_end0:
.L_simem_size_0:
called_computation_lowered:
.L_overlay_start_0:
0x88: {  	s2 =	sld [smem:$0x3FD9]  }
0x89: {  	s3 =	sld [smem:$0x3FFE];
	_ =	sdelay $0x1  }
0x8a: {  	s1 =	srdreg.scid  }
0x8b: {  	s0 =	sand.u32 $0x1, s1  }
0x8c: {  	s17 =	sshll.u32 s0, $0xA;
	s2 =	sadd.s32 s3, s2  }
0x8d: {  	s2 =	sadd.s32 s2, s17  }
0x8e: {  	[smem:$0x3FC5] =	sst s2  }
0x8f: {  	_ = 	snop  }
0x90: {  	s2 =	sld [smem:$0x3FD0];
	(tm) =	ssettm $0x1  }
0x91: {  	s18 =	sld [smem:$0x3FFB];
	_ =	sdelay $0x3  }
0x92: {  	_ =	strace s18  }
0x93: {  	s3 =	sld [smem:$0x3FFC];
	_ =	sdelay $0x3  }
0x94: {  	_ =	strace s3  }
0x95: {  	s3 =	sld [smem:$0x3FFD];
	_ =	sdelay $0x3  }
0x96: {  	_ =	strace s3  }
0x97: {  	_ =	strace $0x8FFFFFFF  }
0x98: {  	s19 =	sld [smem:$0x3FDB];
	_ =	sdelay $0x1  }
0x99: {  	s4 =	simm.s32 $_scs_section_size  }
0x9a: {  	s5 =	simm.s32 $_size__tile_overlayer_lowered;
	s6 =	simm.s32 $_tile_overlayer_lowered  }
0x9b: {  	s22 =	simm.s32 $0x1BFF;
	s21 =	sshll.u32 s6, $0x1;
	s3 =	sadd.s32 s4, s19  }
0x9c: {  	s7 =	simm.s32 $0x0;
	s20 =	sshll.u32 s5, $0x1;
	s5 =	sadd.s32 s21, s3  }
0x9d: {  	[timem:s7], [sflag:s22] =	dma.local [hbm:s5], s20  }
0x9e: {  	_ =	swait.ge [sflag:s22], s20  }
0x9f: {  	s4 =	ssub.s32 $0x0, s20;
	[sflag:s22] =	ssyncset.done $0x0  }
0xa0: {  	[sflag:s22] =	ssyncadd.s32 s4;
	_ =	sdelay $0x1  }
0xa1: {  	s23 =	simm.s32 $0x1B8B  }
0xa2: {  	_ =	swait.ge [sflag:s23], $0x1  }
0xa3: {  	[sflag:s23] =	ssyncset.done $0x0  }
0xa4: {  	s25 =	simm.s32 $0x1B8E;
	s24 =	sld [smem:$0x3FFE];
	[sflag:s23] =	ssyncadd.s32 $0xFFFFFFFF  }
0xa5: {  	s26 =	simm.s32 $execute0_lowered;
	[smem:$0x3FD2] =	sst s25  }
0xa6: {  	s5 =	sshll.u32 s26, $0x1;
	_ =	strace $0x80000046;
	[dreg:$0x1] =	wrdreg $0xFFFFFFFF  }
0xa7: {  	s28 =	simm.s32 $_size_execute0_lowered;
	s3 =	sadd.s32 s3, s5;
	[dreg:$0x0] =	wrdreg $0x0  }
0xa8: {  	s5 =	sshll.u32 s28, $0x1;
	[dreg:$0x2] =	wrdreg s3  }
0xa9: {  	[dreg:$0x3] =	wrdreg s5  }
0xaa: {  	[dreg:$0x4] =	wrdreg $0xC0  }
0xab: {  	_ =	task [dreg:s7], $0x5FFFF  }
0xac: {  	[dreg:$0x1] =	wrdreg $0xFFFFFFFF  }
0xad: {  	[dreg:$0x0] =	wrdreg $0x60  }
0xae: {  	[dreg:$0x2] =	wrdreg s2  }
0xaf: {  	[dreg:$0x3] =	wrdreg s24  }
0xb0: {  	[dreg:$0x4] =	wrdreg $0x68000  }
0xb1: {  	[dreg:$0x5] =	wrdreg $0x9  }
0xb2: {  	_ =	task.clear_ibuf [dreg:s7], $0x6FFFF;
	_ =	strace $0x90000046  }
0xb3: {  	s29 =	simm.s32 $0x9;
	_ =	strace $0x80000048  }
0xb4: {  	_ =	swait.ge [sflag:s29], $0x1  }
0xb5: {  	[sflag:s29] =	ssyncadd.s32 $0xFFFFFFFF  }
0xb6: {  	_ =	strace $0x90000048  }
0xb7: {  	_ =	sfence  }
0xb8: {  	s30 =	sld [smem:$0x0];
	_ =	sdelay $0x2  }
0xb9: {  	s31 =	sshll.u32 s1, $0xD;
	s1 =	sshrl.u32 s1, $0x2  }
0xba: {  	s3 =	sand.u32 $0x4000, s31;
	s1 =	sadd.s32 s1, s30  }
0xbb: {  	s0 =	sor.u32 s3, s0;
	s1 =	sshll.u32 s1, $0x11  }
0xbc: {  	s0 =	sor.u32 s1, s0  }
0xbd: {  	s0 =	sadd.s32 $0x8F2B, s0  }
0xbe: {  	[sflag:s0] =	ssyncadd.remote.s32 $0x1  }
0xbf: {  	_ =	sfence.sel $0xFFFF  }
0xc0: {  	[dreg:$0x0] =	wrdreg $0xFFFFFFFF;
	(pc) =	sbr.abs _section_cstart, $3  }
0xc1: {  	[dreg:$0x1] =	wrdreg $0xFFFFFFFF  }
0xc2: {  	_ =	task.clear_ibuf [dreg:s7], $0x2FFFF;
	_ =	strace $0x9FFFFFFF  }
0xc3: {  	(tm) =	ssettm $0x7FFFFFFF  }
tec
execute0_lowered:
.L_overlay_start_1:
0x0: {  	(tag) =	ssettag $0x1  }
0x1: {  	s6 =	rddreg [dreg:$0x0]  }
0x2: {  	s7 =	rddreg [dreg:$0x1];
	s0 =	srdreg.scid  }
0x3: {  	s2 =	rddreg [dreg:$0x2];
	s1 =	stileid.u32  }
0x4: {  	s3 =	simm.s32 $0x0;
	s14 =	simm.s32 $0x80;
	s15 =	simm.s32 $0x100  }
0x5: {  	s16 =	simm.s32 $0x180;
	s17 =	simm.s32 $0x200;
	s18 =	simm.s32 $0x280  }
0x6: {  	s19 =	simm.s32 $0x300;
	s20 =	simm.s32 $0x380;
	s21 =	simm.s32 $0x1  }
0x7: {  	s22 =	simm.s32 $0x0;
	s8 =	sand.u32 $0x1, s0;
	s0 =	rddreg [dreg:$0x3]  }
0x8: {  	s9 =	smul.u32 $0x14000, s1;
	[smem:$0x7FF] =	sst s3;
	s4 =	sadd.s32 $0x3A00, s7  }
0x9: {  	s11 =	smul.u32 $0x50000, s1;
	s31 =	sshll.u32 s1, $0xB;
	s12 =	sshll.u32 s1, $0x6  }
0xa: {  	s5 =	smul.u32 $0x140000, s8;
	_ =	strace $0x80000047;
	s10 =	ssub.s32 $0x2, s8  }
0xb: {  	s8 =	sshll.u32 s8, $0xF;
	s29 =	sshrl.u32 s10, $0x1;
	s30 =	sshrl.u32 s11, $0x2  }
0xc: {  	s11 =	sadd.s32 s6, s31;
	s6 =	sor.u32 $0x1C02, s12;
	s5 =	sadd.s32 s9, s5  }
0xd: {  	s12 =	simm.s32 $0x4000;
	s10 =	ssub.s32 s10, s29;
	s9 =	sshrl.u32 s5, $0x3  }
0xe: {  	s13 =	sadd.s32 s30, s2;
	s5 =	sadd.s32 $0x1200, s7;
	s9 =	sadd.s32 s9, s7  }
0xf: {  	s7 =	sadd.s32 s8, s11;
	s11 =	simm.s32 $0x2;
	s8 =	sadd.s32 $0x4000, s9  }
0x10: {  	s9 =	smax.u32 s10, $0x1;
	s10 =	sshrl.u32 s13, $0x3;
	s13 =	simm.s32 $0x50  }
.LBB2_1:
0x11: {  	[spmem:s10], [sflag:s6] =	dma.local [hbm:s5], $0x2800  }
0x12: {  	_ =	swait.ge [sflag:s11], $0x2800  }
0x13: {  	[sflag:s11] =	ssyncset.done $0x0  }
0x14: {  	[sflag:s11] =	ssyncadd.s32 $0xFFFFD800  }
0x15: {  	[tilespmem:s3], [sflag:$0x2] =	stream.linear.gather [hbm4b:s7+s3], $0x3E80, $0x38;
	[tilespmem:$0x1A800] =	vst v63  }
0x16: {  	_ =	swait.ge [sflag:s11], $0x3E80  }
0x17: {  	[sflag:s11] =	ssyncset.done $0x0  }
0x18: {  	[sflag:s11] =	ssyncadd.s32 $0xFFFFC180  }
0x19: {  	[tilespmem:s12], [sflag:$0x2] =	stream.linear.gather [hbm4b:s4+s3], $0x2800, $0x38;
	[tilespmem:$0x1A800] =	vst v63  }
0x1a: {  	_ =	swait.ge [sflag:s11], $0x2800  }
0x1b: {  	[sflag:s11] =	ssyncset.done $0x0  }
0x1c: {  	[sflag:s11] =	ssyncadd.s32 $0xFFFFD800  }
0x1d: {  	[bflag:$0x0] =	sbarrier.arrive $0xFFFF  }
0x1e: {  	[spmem:s2] =	stream.indirect.scatter.add.f32 [tilespmem:s12], [sflag:$0x1], $0x80, s3, s13, $0xb8;
	[tilespmem:$0x1A800] =	vst v63  }
0x1f: {  	_ = 	snop  }
0x20: {  	[spmem:s2] =	stream.indirect.scatter.add.f32 [tilespmem:s12], [sflag:$0x1], $0x80, s14, s13, $0xb8;
	[tilespmem:$0x1A800] =	vst v63  }
0x21: {  	_ = 	snop  }
0x22: {  	[spmem:s2] =	stream.indirect.scatter.add.f32 [tilespmem:s12], [sflag:$0x1], $0x80, s15, s13, $0xb8;
	[tilespmem:$0x1A800] =	vst v63  }
0x23: {  	_ = 	snop  }
0x24: {  	[spmem:s2] =	stream.indirect.scatter.add.f32 [tilespmem:s12], [sflag:$0x1], $0x80, s16, s13, $0xb8;
	[tilespmem:$0x1A800] =	vst v63  }
0x25: {  	_ = 	snop  }
0x26: {  	[spmem:s2] =	stream.indirect.scatter.add.f32 [tilespmem:s12], [sflag:$0x1], $0x80, s17, s13, $0xb8;
	[tilespmem:$0x1A800] =	vst v63  }
0x27: {  	_ = 	snop  }
0x28: {  	[spmem:s2] =	stream.indirect.scatter.add.f32 [tilespmem:s12], [sflag:$0x1], $0x80, s18, s13, $0xb8;
	[tilespmem:$0x1A800] =	vst v63  }
0x29: {  	_ = 	snop  }
0x2a: {  	[spmem:s2] =	stream.indirect.scatter.add.f32 [tilespmem:s12], [sflag:$0x1], $0x80, s19, s13, $0xb8;
	[tilespmem:$0x1A800] =	vst v63  }
0x2b: {  	_ = 	snop  }
0x2c: {  	[spmem:s2] =	stream.indirect.scatter.add.f32 [tilespmem:s12], [sflag:$0x1], $0x80, s20, s13, $0xb8;
	[tilespmem:$0x1A800] =	vst v63  }
0x2d: {  	_ =	swait.ge [sflag:s21], $0x2800  }
0x2e: {  	[sflag:s21] =	ssyncset.done $0x0  }
0x2f: {  	s23 =	simm.s32 $0x1200;
	s24 =	simm.s32 $0x400;
	[sflag:s21] =	ssyncadd.s32 $0xFFFFD800  }
.LBB2_2:
0x30: {  	[spmem:s2] =	stream.indirect.scatter.add.f32 [tilespmem:s12], [sflag:$0x1], $0x80, s24, s13, $0xb8;
	[tilespmem:$0x1A800] =	vst v63  }
0x31: {  	s24 =	smov.u32 s23;
	p0 =	sne.s32 s23, $0xF800  }
.Ltmp0:
0x32: {  	s23 =	sadd.s32 $0x200, s23;
	(pc) =	sbr.rel @p0 .LBB2_2-.Ltmp0, $4  }
0x33: {  	_ = 	snop  }
0x34: {  	_ =	swait.ge [sflag:s21], $0x2800  }
0x35: {  	[sflag:s21] =	ssyncset.done $0x0  }
0x36: {  	s24 =	sshra.s32 s24, $0x2;
	[sflag:s21] =	ssyncadd.s32 $0xFFFFD800  }
0x37: {  	[spmem:s2] =	stream.indirect.scatter.add.f32 [tilespmem:s12], [sflag:$0x1], $0x80, s24, s13, $0xb8;
	[tilespmem:$0x1A800] =	vst v63  }
0x38: {  	_ =	swait.ge [sflag:s21], $0x2800  }
0x39: {  	[sflag:s21] =	ssyncset.done $0x0  }
0x3a: {  	[sflag:s21] =	ssyncadd.s32 $0xFFFFD800  }
0x3b: {  	_ =	swait.ge [sflag:s21], $0x2800  }
0x3c: {  	[sflag:s21] =	ssyncset.done $0x0  }
0x3d: {  	[sflag:s21] =	ssyncadd.s32 $0xFFFFD800  }
0x3e: {  	_ =	swait.ge [sflag:s21], $0x2800  }
0x3f: {  	[sflag:s21] =	ssyncset.done $0x0  }
0x40: {  	[sflag:s21] =	ssyncadd.s32 $0xFFFFD800  }
0x41: {  	_ =	swait.ge [sflag:s21], $0x2800  }
0x42: {  	[sflag:s21] =	ssyncset.done $0x0  }
0x43: {  	[sflag:s21] =	ssyncadd.s32 $0xFFFFD800  }
0x44: {  	_ =	swait.ge [sflag:s21], $0x2800  }
0x45: {  	[sflag:s21] =	ssyncset.done $0x0  }
0x46: {  	[sflag:s21] =	ssyncadd.s32 $0xFFFFD800  }
0x47: {  	_ =	swait.ge [sflag:s21], $0x2800  }
0x48: {  	[sflag:s21] =	ssyncset.done $0x0  }
0x49: {  	[sflag:s21] =	ssyncadd.s32 $0xFFFFD800  }
0x4a: {  	_ =	swait.ge [sflag:s21], $0x2800  }
0x4b: {  	[sflag:s21] =	ssyncset.done $0x0  }
0x4c: {  	[sflag:s21] =	ssyncadd.s32 $0xFFFFD800  }
0x4d: {  	_ =	swait.ge [sflag:s21], $0x2800  }
0x4e: {  	s22 =	sadd.s32 $0x1, s22;
	[sflag:s21] =	ssyncset.done $0x0  }
0x4f: {  	p0 =	sne.s32 s22, s9;
	[sflag:s21] =	ssyncadd.s32 $0xFFFFD800  }
.Ltmp1:
0x50: {  	[bflag:$0x0] =	sbarrier.arrive $0xFFFF;
	(pc) =	sbr.rel @p0 .LBB2_1-.Ltmp1, $4  }
0x51: {  	[hbm:s8], [sflag:s6] =	dma.local [spmem:s10], $0x2800  }
0x52: {  	_ =	swait.ge [sflag:s11], $0x2800  }
0x53: {  	[sflag:s11] =	ssyncset.done $0x0  }
0x54: {  	[sflag:s11] =	ssyncadd.s32 $0xFFFFD800  }
0x55: {  	_ =	sfence.sel $0x180000  }
0x56: {  	[bflag:$0x0] =	sbarrier.arrive $0xFFFF  }
0x57: {  	p0 =	sne.s32 s1, $0x0;
	_ =	strace $0x90000047  }
0x58: {  	s0 =	sadd.s32 @!p0 $0x100000, s0;
	[bflag:$0x2] =	sbarrier.arrive $0xFFFF  }
0x59: {  	[sflag:s0] =	ssyncadd.tile.s32 @!p0 $0x1;
	_ =	shalt  }
.Lfunc_end2:
_tile_overlayer_lowered:
.L_overlay_start_2:
0x5a: {  	(tag) =	ssettag $0x2  }
0x5b: {  	s0 =	rddreg [dreg:$0x0];
	s2 =	stileid.u32  }
0x5c: {  	s1 =	rddreg [dreg:$0x1];
	p0 =	sne.s32 s2, $0x0  }
0x5d: {  	s3 =	rddreg [dreg:$0x2];
	[bflag:$0x3] =	sbarrier.arrive $0xFFFF;
	s2 =	simm.s32 @!p0 $0x1C02  }
0x5e: {  	[timem:s3], [sflag:s2] =	dma.local @!p0 [hbm:s0], s1  }
0x5f: {  	s0 =	simm.s32 @!p0 $0x2  }
0x60: {  	_ =	swait.ge @!p0 [sflag:s0], s1  }
0x61: {  	s1 =	ssub.s32 @!p0 $0x0, s1;
	[sflag:s0] =	ssyncset.done @!p0 $0x0  }
0x62: {  	[sflag:s0] =	ssyncadd.s32 @!p0 s1  }
0x63: {  	[bflag:$0x3] =	sbarrier.arrive $0xFFFF  }
0x64: {  	_ =	shalt  }

// kernel: kernel.9.cloned.1.call-start
scs
__scs_entry_jumppad:
0x0: {  	(pc) =	sbr.rel $0x88, $3  }
0x1: {  	(tag) =	ssettag $0x0;
	lr =	simm.s32 $0x1  }
0x2: {  	[smem:$0x3F9E] =	sst lr;
	_ =	strace $0xD0000000  }
0x3: {  	_ = 	snop  }
0x4: {  	_ = 	snop  }
0x5: {  	_ = 	snop  }
0x6: {  	_ = 	snop  }
0x7: {  	_ = 	snop  }
__scs_overlays_trampoline_lowered:
0x8: {  	[smem:$0x3FAD] =	sst s0  }
0x9: {  	[smem:$0x3FAE] =	sst s1  }
0xa: {  	[smem:$0x3FAF] =	sst s2  }
0xb: {  	[smem:$0x3FB0] =	sst s3  }
0xc: {  	[smem:$0x3FB1] =	sst s4  }
0xd: {  	[smem:$0x3FB2] =	sst s5  }
0xe: {  	[smem:$0x3FB3] =	sst s6  }
0xf: {  	[smem:$0x3FB4] =	sst s7  }
0x10: {  	[smem:$0x3FB5] =	sst s8  }
0x11: {  	[smem:$0x3FB6] =	sst s9;
	s0 =	simm.s32 @!p0 $0x0  }
0x12: {  	s1 =	sld [smem:$0x3F9C];
	s0 =	simm.s32 @p0 $0x1  }
0x13: {  	[smem:$0x3FB7] =	sst s0;
	s0 =	simm.s32 @!p1 $0x0  }
0x14: {  	s2 =	sld [smem:$0x3F9B];
	s0 =	simm.s32 @p1 $0x1  }
0x15: {  	[smem:$0x3FB8] =	sst s0;
	s0 =	simm.s32 @!p2 $0x0  }
0x16: {  	s3 =	sld [smem:$0x3FDB];
	s0 =	simm.s32 @p2 $0x1  }
0x17: {  	s4 =	simm.s32 $0x1BF5;
	[smem:$0x3FBA] =	sst s0  }
0x18: {  	s0 =	sld [smem:$0x3F9D];
	_ =	swait.ge [sflag:s4], $0x0  }
0x19: {  	s7 =	sld [smem:$0x3F9E]  }
0x1a: {  	s8 =	sadd.s32 $0xFFFFE003, lr  }
0x1b: {  	s9 =	sadd.s32 $0xFFFFFEF7, lr;
	s5 =	simm.s32 $0xFFFFFFFF;
	p2 =	slt.u32 s8, $0xFFFFF086  }
0x1c: {  	p1 =	slt.u32 s9, $0xF7A;
	s5 =	simm.s32 @!p2 $0x0  }
0x1d: {  	s5 =	simm.s32 @p1 $0x1;
	p0 =	seq.s32 s7, s2  }
0x1e: {  	s7 =	smul.u32 @!p0 $0xF7A, s2;
	p2 =	seq.s32 @!p0 s5, $0x0  }
0x1f: {  	s9 =	smul.u32 $0xF7A, s1;
	s8 =	simm.s32 @!p0 $0x1BF5;
	p2 =	por !p2, p0  }
0x20: {  	[sflag:s8] =	ssyncset.s32 @!p0 $0xFFFFF086;
	s6 =	sadd.s32 @!p0 s3, s7;
	s7 =	simm.s32 @!p0 $0x108  }
0x21: {  	s3 =	sadd.s32 s3, s9;
	s6 =	sadd.s32 @!p0 $0x88, s6;
	s7 =	simm.s32 @p2 $0x1082  }
0x22: {  	[simem:s7], [sflag:s8] =	dma.local @!p0 [hbm:s6], $0xF7A  }
0x23: {  	s9 =	sor.u32 $0xD0000000, s2;
	s6 =	simm.s32 $0x108;
	_ =	swait.ge @!p0 [sflag:s8], $0x0  }
0x24: {  	s3 =	sadd.s32 $0x88, s3;
	s6 =	simm.s32 @!p1 $0x1082;
	[sflag:s4] =	ssyncset.s32 $0xFFFFF086  }
0x25: {  	[simem:s6], [sflag:s4] =	dma.local [hbm:s3], $0xF7A  }
0x26: {  	[smem:$0x3F9E] =	sst s1;
	(tag) =	ssettag s2;
	_ =	strace s9  }
0x27: {  	s1 =	sld [smem:$0x3FAE]  }
0x28: {  	s2 =	sld [smem:$0x3FAF]  }
0x29: {  	s4 =	sld [smem:$0x3FB1]  }
0x2a: {  	p0 =	seq.s32 s5, $0x0;
	s5 =	sld [smem:$0x3FB2]  }
0x2b: {  	s6 =	sld [smem:$0x3FB3]  }
0x2c: {  	s7 =	sld [smem:$0x3FB4]  }
0x2d: {  	s3 =	simm.s32 $0x108;
	s8 =	sld [smem:$0x3FB5]  }
0x2e: {  	s3 =	simm.s32 @!p0 $0x1082;
	s9 =	sld [smem:$0x3FB6]  }
0x2f: {  	lr =	sadd.s32 s0, s3;
	s0 =	sld [smem:$0x3FAD]  }
0x30: {  	s3 =	sld [smem:$0x3FB0]  }
0x31: {  	[smem:$0x3FB9] =	sst s10  }
0x32: {  	s10 =	sld [smem:$0x3FB7];
	_ =	sdelay $0x3  }
0x33: {  	p0 =	seq.s32 s10, $0x1;
	s10 =	sld [smem:$0x3FB9];
	_ =	sdelay $0x3  }
0x34: {  	[smem:$0x3FB9] =	sst s10  }
0x35: {  	s10 =	sld [smem:$0x3FB8];
	_ =	sdelay $0x3  }
0x36: {  	p1 =	seq.s32 s10, $0x1;
	s10 =	sld [smem:$0x3FB9];
	_ =	sdelay $0x3  }
0x37: {  	[smem:$0x3FB9] =	sst s10  }
0x38: {  	s10 =	sld [smem:$0x3FBA]  }
0x39: {  	_ = 	snop;
	(pc) =	sbr.ind lr, $3  }
0x3a: {  	_ = 	snop  }
0x3b: {  	_ = 	snop  }
0x3c: {  	p2 =	seq.s32 s10, $0x1;
	s10 =	sld [smem:$0x3FB9]  }
0x3d: {  	_ =	shalt  }
0x3e: {  	_ =	shalt  }
0x3f: {  	_ =	shalt  }
0x40: {  	_ =	shalt  }
0x41: {  	_ =	shalt  }
0x42: {  	_ =	shalt  }
0x43: {  	_ =	shalt  }
0x44: {  	_ =	shalt  }
0x45: {  	_ =	shalt  }
0x46: {  	_ =	shalt  }
0x47: {  	_ =	shalt  }
0x48: {  	_ =	shalt  }
0x49: {  	_ =	shalt  }
0x4a: {  	_ =	shalt  }
0x4b: {  	_ =	shalt  }
0x4c: {  	_ =	shalt  }
0x4d: {  	_ =	shalt  }
0x4e: {  	_ =	shalt  }
0x4f: {  	_ =	shalt  }
0x50: {  	_ =	shalt  }
0x51: {  	_ =	shalt  }
0x52: {  	_ =	shalt  }
0x53: {  	_ =	shalt  }
0x54: {  	_ =	shalt  }
0x55: {  	_ =	shalt  }
0x56: {  	_ =	shalt  }
0x57: {  	_ =	shalt  }
0x58: {  	_ =	shalt  }
0x59: {  	_ =	shalt  }
0x5a: {  	_ =	shalt  }
0x5b: {  	_ =	shalt  }
0x5c: {  	_ =	shalt  }
0x5d: {  	_ =	shalt  }
0x5e: {  	_ =	shalt  }
0x5f: {  	_ =	shalt  }
0x60: {  	_ =	shalt  }
0x61: {  	_ =	shalt  }
0x62: {  	_ =	shalt  }
0x63: {  	_ =	shalt  }
0x64: {  	_ =	shalt  }
0x65: {  	_ =	shalt  }
0x66: {  	_ =	shalt  }
0x67: {  	_ =	shalt  }
0x68: {  	_ =	shalt  }
0x69: {  	_ =	shalt  }
0x6a: {  	_ =	shalt  }
0x6b: {  	_ =	shalt  }
0x6c: {  	_ =	shalt  }
0x6d: {  	_ =	shalt  }
0x6e: {  	_ =	shalt  }
0x6f: {  	_ =	shalt  }
0x70: {  	_ =	shalt  }
0x71: {  	_ =	shalt  }
0x72: {  	_ =	shalt  }
0x73: {  	_ =	shalt  }
0x74: {  	_ =	shalt  }
0x75: {  	_ =	shalt  }
0x76: {  	_ =	shalt  }
0x77: {  	_ =	shalt  }
0x78: {  	_ =	shalt  }
0x79: {  	_ =	shalt  }
0x7a: {  	_ =	shalt  }
0x7b: {  	_ =	shalt  }
0x7c: {  	_ =	shalt  }
0x7d: {  	_ =	shalt  }
0x7e: {  	_ =	shalt  }
0x7f: {  	_ =	shalt  }
0x80: {  	_ =	shalt  }
0x81: {  	_ =	shalt  }
0x82: {  	_ =	shalt  }
0x83: {  	_ =	shalt  }
0x84: {  	_ =	shalt  }
0x85: {  	_ =	shalt  }
0x86: {  	_ =	shalt  }
0x87: {  	_ =	shalt  }
.Lfunc_end0:
.L_simem_size_0:
called_computation.1_lowered:
.L_overlay_start_0:
0x88: {  	s2 =	sld [smem:$0x3FD9]  }
0x89: {  	s3 =	sld [smem:$0x3FFE];
	_ =	sdelay $0x1  }
0x8a: {  	s1 =	srdreg.scid  }
0x8b: {  	s0 =	sand.u32 $0x1, s1  }
0x8c: {  	s17 =	sshll.u32 s0, $0xA;
	s2 =	sadd.s32 s3, s2  }
0x8d: {  	s2 =	sadd.s32 s2, s17  }
0x8e: {  	[smem:$0x3FC5] =	sst s2  }
0x8f: {  	_ = 	snop  }
0x90: {  	s2 =	sld [smem:$0x3FD0];
	(tm) =	ssettm $0x1  }
0x91: {  	s18 =	sld [smem:$0x3FFB];
	_ =	sdelay $0x3  }
0x92: {  	_ =	strace s18  }
0x93: {  	s3 =	sld [smem:$0x3FFC];
	_ =	sdelay $0x3  }
0x94: {  	_ =	strace s3  }
0x95: {  	s3 =	sld [smem:$0x3FFD];
	_ =	sdelay $0x3  }
0x96: {  	_ =	strace s3  }
0x97: {  	_ =	strace $0x8FFFFFFF  }
0x98: {  	s19 =	sld [smem:$0x3FDB];
	_ =	sdelay $0x1  }
0x99: {  	s4 =	simm.s32 $_scs_section_size  }
0x9a: {  	s5 =	simm.s32 $_size__tile_overlayer_lowered;
	s6 =	simm.s32 $_tile_overlayer_lowered  }
0x9b: {  	s22 =	simm.s32 $0x1BFF;
	s21 =	sshll.u32 s6, $0x1;
	s3 =	sadd.s32 s4, s19  }
0x9c: {  	s7 =	simm.s32 $0x0;
	s20 =	sshll.u32 s5, $0x1;
	s5 =	sadd.s32 s21, s3  }
0x9d: {  	[timem:s7], [sflag:s22] =	dma.local [hbm:s5], s20  }
0x9e: {  	_ =	swait.ge [sflag:s22], s20  }
0x9f: {  	s4 =	ssub.s32 $0x0, s20;
	[sflag:s22] =	ssyncset.done $0x0  }
0xa0: {  	[sflag:s22] =	ssyncadd.s32 s4;
	_ =	sdelay $0x1  }
0xa1: {  	s23 =	simm.s32 $0x1B8B  }
0xa2: {  	_ =	swait.ge [sflag:s23], $0x1  }
0xa3: {  	[sflag:s23] =	ssyncset.done $0x0  }
0xa4: {  	s25 =	simm.s32 $0x1B8E;
	s24 =	sld [smem:$0x3FFE];
	[sflag:s23] =	ssyncadd.s32 $0xFFFFFFFF  }
0xa5: {  	s26 =	simm.s32 $execute0_lowered;
	[smem:$0x3FD2] =	sst s25  }
0xa6: {  	s5 =	sshll.u32 s26, $0x1;
	_ =	strace $0x80000049;
	[dreg:$0x1] =	wrdreg $0xFFFFFFFF  }
0xa7: {  	s28 =	simm.s32 $_size_execute0_lowered;
	s3 =	sadd.s32 s3, s5;
	[dreg:$0x0] =	wrdreg $0x0  }
0xa8: {  	s5 =	sshll.u32 s28, $0x1;
	[dreg:$0x2] =	wrdreg s3  }
0xa9: {  	[dreg:$0x3] =	wrdreg s5  }
0xaa: {  	[dreg:$0x4] =	wrdreg $0xC0  }
0xab: {  	_ =	task [dreg:s7], $0x5FFFF  }
0xac: {  	[dreg:$0x1] =	wrdreg $0xFFFFFFFF  }
0xad: {  	[dreg:$0x0] =	wrdreg $0x60  }
0xae: {  	[dreg:$0x2] =	wrdreg s24  }
0xaf: {  	[dreg:$0x3] =	wrdreg s2  }
0xb0: {  	[dreg:$0x4] =	wrdreg $0xA8000  }
0xb1: {  	[dreg:$0x5] =	wrdreg $0x9  }
0xb2: {  	_ =	task.clear_ibuf [dreg:s7], $0x6FFFF;
	_ =	strace $0x90000049  }
0xb3: {  	s29 =	simm.s32 $0x9;
	_ =	strace $0x8000004B  }
0xb4: {  	_ =	swait.ge [sflag:s29], $0x1  }
0xb5: {  	[sflag:s29] =	ssyncadd.s32 $0xFFFFFFFF  }
0xb6: {  	_ =	strace $0x9000004B  }
0xb7: {  	_ =	sfence  }
0xb8: {  	s30 =	sld [smem:$0x0];
	_ =	sdelay $0x2  }
0xb9: {  	s31 =	sshll.u32 s1, $0xD;
	s1 =	sshrl.u32 s1, $0x2  }
0xba: {  	s3 =	sand.u32 $0x4000, s31;
	s1 =	sadd.s32 s1, s30  }
0xbb: {  	s0 =	sor.u32 s3, s0;
	s1 =	sshll.u32 s1, $0x11  }
0xbc: {  	s0 =	sor.u32 s1, s0  }
0xbd: {  	s0 =	sadd.s32 $0x8F2B, s0  }
0xbe: {  	[sflag:s0] =	ssyncadd.remote.s32 $0x1  }
0xbf: {  	_ =	sfence.sel $0xFFFF  }
0xc0: {  	[dreg:$0x0] =	wrdreg $0xFFFFFFFF;
	(pc) =	sbr.abs _section_cstart, $3  }
0xc1: {  	[dreg:$0x1] =	wrdreg $0xFFFFFFFF  }
0xc2: {  	_ =	task.clear_ibuf [dreg:s7], $0x2FFFF;
	_ =	strace $0x9FFFFFFF  }
0xc3: {  	(tm) =	ssettm $0x7FFFFFFF  }
tec
execute0_lowered:
.L_overlay_start_1:
0x0: {  	(tag) =	ssettag $0x1  }
0x1: {  	s0 =	rddreg [dreg:$0x0]  }
0x2: {  	s1 =	rddreg [dreg:$0x1]  }
0x3: {  	s2 =	rddreg [dreg:$0x2]  }
0x4: {  	s3 =	srdreg.scid;
	s4 =	simm.s32 $0x0;
	s25 =	stileid.u32  }
0x5: {  	s14 =	simm.s32 $0x5;
	s15 =	simm.s32 $0x1400;
	s16 =	simm.s32 $0x80  }
0x6: {  	s17 =	simm.s32 $0x2800;
	s18 =	simm.s32 $0x6800;
	s19 =	simm.s32 $0x2  }
0x7: {  	s20 =	simm.s32 $0x3;
	s21 =	simm.s32 $0x2780;
	s22 =	simm.s32 $0x4  }
0x8: {  	s23 =	simm.s32 $0x0;
	s6 =	sand.u32 $0x1, s3;
	[smem:$0x7FF] =	sst s4  }
0x9: {  	s7 =	smul.u32 $0x14000, s25;
	s9 =	sadd.s32 $0x5E000, s0;
	s10 =	sadd.s32 $0x54000, s0  }
0xa: {  	s26 =	sadd.s32 $0x1200, s0;
	s11 =	smul.u32 $0x50000, s25;
	s30 =	sshll.u32 s25, $0x6  }
0xb: {  	s5 =	smul.u32 $0x140000, s6;
	_ =	strace $0x8000004A;
	s8 =	sshll.u32 s6, $0x4  }
0xc: {  	[dreg:$0x4] =	wrdreg s26;
	s6 =	ssub.s32 $0x2, s6;
	s8 =	sor.u32 s25, s8  }
0xd: {  	s28 =	sshrl.u32 s6, $0x1;
	s29 =	sshrl.u32 s11, $0x2;
	s7 =	sadd.s32 s7, s5  }
0xe: {  	s8 =	smul.u32 $0x2800, s8;
	s12 =	ssub.s32 s6, s28;
	s13 =	sadd.s32 s29, s2  }
0xf: {  	s6 =	sor.u32 $0x1C05, s30;
	s7 =	sshrl.u32 s7, $0x3;
	s12 =	smax.u32 s12, $0x1  }
0x10: {  	s13 =	sshrl.u32 s13, $0x3;
	s0 =	sadd.s32 s7, s0;
	s31 =	sshrl.u32 s8, $0x3  }
0x11: {  	s7 =	sadd.s32 s9, s31;
	s8 =	sadd.s32 s10, s31;
	s11 =	sadd.s32 $0x280, s31  }
0x12: {  	s9 =	sadd.s32 s9, s11;
	s10 =	sadd.s32 s10, s11;
	s11 =	sadd.s32 $0x3A00, s0  }
.LBB2_1:
0x13: {  	s0 =	rddreg [dreg:$0x4]  }
0x14: {  	[spmem:s13], [sflag:s6] =	dma.local [hbm:s0], $0x2800  }
0x15: {  	_ =	swait.ge [sflag:s14], $0x2800  }
0x16: {  	[sflag:s14] =	ssyncset.done $0x0  }
0x17: {  	[sflag:s14] =	ssyncadd.s32 $0xFFFFD800  }
0x18: {  	[bflag:$0x0] =	sbarrier.arrive $0xFFFF  }
0x19: {  	[tilespmem:s4], [sflag:$0x5] =	stream.linear.gather [hbm4b:s7+s4], $0x1400, $0x38;
	[tilespmem:$0x1E800] =	vst v63  }
0x1a: {  	_ =	swait.ge [sflag:s14], $0x1400  }
0x1b: {  	[sflag:s14] =	ssyncset.done $0x0  }
0x1c: {  	[sflag:s14] =	ssyncadd.s32 $0xFFFFEC00  }
0x1d: {  	[tilespmem:s15], [sflag:$0x5] =	stream.linear.gather [hbm4b:s8+s4], $0x1400, $0x38;
	[tilespmem:$0x1E800] =	vst v63  }
0x1e: {  	_ =	swait.ge [sflag:s14], $0x1400  }
0x1f: {  	[sflag:s14] =	ssyncset.done $0x0  }
0x20: {  	s26 =	simm.s32 $0x1;
	[sflag:s14] =	ssyncadd.s32 $0xFFFFEC00  }
0x21: {  	[tilespmem:s17], [sflag:$0x1] =	stream.indirect.gather [hbm4b:s1+s16], $0x80, s4, s16, $0xb8;
	[tilespmem:$0x1E800] =	vst v63  }
0x22: {  	_ =	swait.ge [sflag:s26], $0x4000  }
0x23: {  	s0 =	sand.u32 $0x1, s26;
	[sflag:s26] =	ssyncset.done $0x0  }
0x24: {  	p1 =	seq.s32 s0, $0x1;
	[sflag:s26] =	ssyncadd.s32 $0xFFFFC000  }
0x25: {  	[tilespmem:s18], [sflag:$0x2] =	stream.indirect.gather [hbm4b:s1+s16], $0x80, s16, s16, $0xb8;
	[tilespmem:$0x1E800] =	vst v63  }
0x26: {  	s0 =	simm.s32 @p1 $0x2  }
0x27: {  	[spmem:s2] =	stream.indirect.scatter.add.f32 [tilespmem:s17], [sflag:$0x3], $0x80, s15, s16, $0xb8;
	[tilespmem:$0x1E800] =	vst v63  }
0x28: {  	_ =	swait.ge @p1 [sflag:s0], $0x4000  }
0x29: {  	p0 =	por p1, p1;
	[sflag:s0] =	ssyncset.done @p1 $0x0  }
0x2a: {  	[sflag:s0] =	ssyncadd.s32 @p0 $0xFFFFC000;
	s0 =	simm.s32 @p0 $0x3  }
0x2b: {  	_ =	swait.ge @p0 [sflag:s0], $0x4000  }
0x2c: {  	s24 =	simm.s32 @p0 $0x2800;
	[sflag:s0] =	ssyncset.done @p0 $0x0  }
0x2d: {  	s26 =	simm.s32 $0x100;
	[sflag:s0] =	ssyncadd.s32 @p0 $0xFFFFC000;
	s0 =	simm.s32 @p0 $0x80  }
0x2e: {  	[tilespmem:s24], [sflag:$0x1] =	stream.indirect.gather @p0 [hbm4b:s1+s0], $0x80, s26, s0, $0xb8;
	[tilespmem:$0x1E800] =	vst v63  }
0x2f: {  	s28 =	simm.s32 $0x1480;
	s25 =	simm.s32 @!p0 $0x1;
	s24 =	simm.s32 @p0 $0x6800  }
0x30: {  	[spmem:s2] =	stream.indirect.scatter.add.f32 @p0 [tilespmem:s24], [sflag:$0x4], $0x80, s28, s0, $0xb8;
	[tilespmem:$0x1E800] =	vst v63  }
0x31: {  	_ =	swait.ge @!p0 [sflag:s25], $0x4000  }
0x32: {  	s31 =	simm.s32 $0x2;
	s29 =	simm.s32 $0x3;
	[sflag:s25] =	ssyncset.done @!p0 $0x0  }
0x33: {  	s3 =	sand.u32 $0x1, s31;
	[sflag:s25] =	ssyncadd.s32 @!p0 $0xFFFFC000;
	s25 =	simm.s32 @!p0 $0x4  }
0x34: {  	s30 =	simm.s32 @!p1 $0x2800;
	s31 =	simm.s32 @!p0 $0x80;
	_ =	swait.ge @!p0 [sflag:s25], $0x4000  }
0x35: {  	p1 =	seq.s32 s3, $0x1;
	s0 =	simm.s32 @!p0 $0x6800;
	[sflag:s25] =	ssyncset.done @!p0 $0x0  }
0x36: {  	s24 =	simm.s32 $0x180;
	[sflag:s25] =	ssyncadd.s32 @!p0 $0xFFFFC000;
	s25 =	simm.s32 $0x1500  }
.LBB2_2:
0x37: {  	[tilespmem:s0], [sflag:$0x2] =	stream.indirect.gather @!p0 [hbm4b:s1+s31], $0x80, s26, s31, $0xb8;
	[tilespmem:$0x1E800] =	vst v63  }
0x38: {  	s3 =	smov.u32 s29;
	s26 =	smov.u32 s24  }
0x39: {  	s29 =	sadd.s32 $0x1, s29;
	s0 =	simm.s32 @p1 $0x2;
	s5 =	simm.s32 @!p1 $0x2800  }
0x3a: {  	[spmem:s2] =	stream.indirect.scatter.add.f32 @!p0 [tilespmem:s30], [sflag:$0x3], $0x80, s28, s31, $0xb8;
	[tilespmem:$0x1E800] =	vst v63  }
0x3b: {  	p2 =	sne.s32 s29, $0x27;
	s30 =	smov.u32 s5;
	_ =	swait.ge @p1 [sflag:s0], $0x4000  }
0x3c: {  	s28 =	smov.u32 s25;
	p0 =	por p1, p1;
	[sflag:s0] =	ssyncset.done @p1 $0x0  }
0x3d: {  	[sflag:s0] =	ssyncadd.s32 @p0 $0xFFFFC000;
	s0 =	simm.s32 @p0 $0x3  }
0x3e: {  	_ =	swait.ge @p0 [sflag:s0], $0x4000  }
0x3f: {  	[sflag:s0] =	ssyncset.done @p0 $0x0  }
0x40: {  	s5 =	simm.s32 @p0 $0x2800;
	[sflag:s0] =	ssyncadd.s32 @p0 $0xFFFFC000;
	s0 =	simm.s32 @p0 $0x80  }
0x41: {  	[tilespmem:s5], [sflag:$0x1] =	stream.indirect.gather @p0 [hbm4b:s1+s0], $0x80, s24, s0, $0xb8;
	[tilespmem:$0x1E800] =	vst v63  }
0x42: {  	s31 =	simm.s32 @!p0 $0x1;
	s5 =	simm.s32 @p0 $0x6800  }
0x43: {  	[spmem:s2] =	stream.indirect.scatter.add.f32 @p0 [tilespmem:s5], [sflag:$0x4], $0x80, s25, s0, $0xb8;
	[tilespmem:$0x1E800] =	vst v63  }
0x44: {  	_ =	swait.ge @!p0 [sflag:s31], $0x4000  }
.Ltmp0:
0x45: {  	[sflag:s31] =	ssyncset.done @!p0 $0x0;
	(pc) =	sbr.rel @p2 .LBB2_2-.Ltmp0, $4  }
0x46: {  	s5 =	simm.s32 @!p0 $0x4;
	[sflag:s31] =	ssyncadd.s32 @!p0 $0xFFFFC000  }
0x47: {  	s24 =	sadd.s32 $0x80, s24;
	s0 =	simm.s32 @!p0 $0x6800;
	_ =	swait.ge @!p0 [sflag:s5], $0x4000  }
0x48: {  	s3 =	sand.u32 $0x1, s3;
	s31 =	simm.s32 @!p0 $0x80;
	[sflag:s5] =	ssyncset.done @!p0 $0x0  }
0x49: {  	p1 =	seq.s32 s3, $0x1;
	s25 =	sadd.s32 $0x80, s25;
	[sflag:s5] =	ssyncadd.s32 @!p0 $0xFFFFC000  }
0x4a: {  	[tilespmem:s0], [sflag:$0x2] =	stream.indirect.gather @!p0 [hbm4b:s1+s31], $0x80, s26, s31, $0xb8;
	[tilespmem:$0x1E800] =	vst v63  }
0x4b: {  	s0 =	simm.s32 @p1 $0x2  }
0x4c: {  	[spmem:s2] =	stream.indirect.scatter.add.f32 @!p0 [tilespmem:s30], [sflag:$0x3], $0x80, s28, s31, $0xb8;
	[tilespmem:$0x1E800] =	vst v63  }
0x4d: {  	_ =	swait.ge @p1 [sflag:s0], $0x4000  }
0x4e: {  	p0 =	por p1, p1;
	[sflag:s0] =	ssyncset.done @p1 $0x0  }
0x4f: {  	[sflag:s0] =	ssyncadd.s32 @p0 $0xFFFFC000;
	s0 =	simm.s32 @p0 $0x3  }
0x50: {  	_ =	swait.ge @p0 [sflag:s0], $0x4000  }
0x51: {  	[sflag:s0] =	ssyncset.done @p0 $0x0  }
0x52: {  	s3 =	simm.s32 @p0 $0x2800;
	[sflag:s0] =	ssyncadd.s32 @p0 $0xFFFFC000;
	s0 =	simm.s32 @p0 $0x80  }
0x53: {  	[tilespmem:s3], [sflag:$0x1] =	stream.indirect.gather @p0 [hbm4b:s1+s0], $0x80, s24, s0, $0xb8;
	[tilespmem:$0x1E800] =	vst v63  }
0x54: {  	s5 =	simm.s32 @!p0 $0x1;
	s3 =	simm.s32 @p0 $0x6800  }
0x55: {  	[spmem:s2] =	stream.indirect.scatter.add.f32 @p0 [tilespmem:s3], [sflag:$0x4], $0x80, s25, s0, $0xb8;
	[tilespmem:$0x1E800] =	vst v63  }
0x56: {  	_ =	swait.ge @!p0 [sflag:s5], $0x4000  }
0x57: {  	[sflag:s5] =	ssyncset.done @!p0 $0x0  }
0x58: {  	s0 =	simm.s32 @!p0 $0x4;
	[sflag:s5] =	ssyncadd.s32 @!p0 $0xFFFFC000  }
0x59: {  	_ =	swait.ge @!p0 [sflag:s0], $0x4000  }
0x5a: {  	[sflag:s0] =	ssyncset.done @!p0 $0x0  }
0x5b: {  	s3 =	simm.s32 @!p0 $0x6800;
	s5 =	simm.s32 @!p0 $0x80;
	[sflag:s0] =	ssyncadd.s32 @!p0 $0xFFFFC000  }
0x5c: {  	[tilespmem:s3], [sflag:$0x2] =	stream.indirect.gather @!p0 [hbm4b:s1+s5], $0x80, s24, s5, $0xb8;
	[tilespmem:$0x1E800] =	vst v63  }
0x5d: {  	s0 =	simm.s32 @!p1 $0x2800  }
0x5e: {  	[spmem:s2] =	stream.indirect.scatter.add.f32 @!p0 [tilespmem:s0], [sflag:$0x3], $0x80, s25, s5, $0xb8;
	[tilespmem:$0x1E800] =	vst v63  }
0x5f: {  	_ =	swait.ge [sflag:s19], $0x4000  }
0x60: {  	[sflag:s19] =	ssyncset.done $0x0  }
0x61: {  	[sflag:s19] =	ssyncadd.s32 $0xFFFFC000  }
0x62: {  	_ =	swait.ge [sflag:s20], $0x4000  }
0x63: {  	[sflag:s20] =	ssyncset.done $0x0  }
0x64: {  	[sflag:s20] =	ssyncadd.s32 $0xFFFFC000  }
0x65: {  	[spmem:s2] =	stream.indirect.scatter.add.f32 [tilespmem:s18], [sflag:$0x4], $0x80, s21, s16, $0xb8;
	[tilespmem:$0x1E800] =	vst v63  }
0x66: {  	_ =	swait.ge [sflag:s22], $0x4000  }
0x67: {  	[sflag:s22] =	ssyncset.done $0x0  }
0x68: {  	[sflag:s22] =	ssyncadd.s32 $0xFFFFC000  }
0x69: {  	[tilespmem:s4], [sflag:$0x5] =	stream.linear.gather [hbm4b:s9+s4], $0x1400, $0x38;
	[tilespmem:$0x1E800] =	vst v63  }
0x6a: {  	_ =	swait.ge [sflag:s14], $0x1400  }
0x6b: {  	[sflag:s14] =	ssyncset.done $0x0  }
0x6c: {  	[sflag:s14] =	ssyncadd.s32 $0xFFFFEC00  }
0x6d: {  	[tilespmem:s15], [sflag:$0x5] =	stream.linear.gather [hbm4b:s10+s4], $0x1400, $0x38;
	[tilespmem:$0x1E800] =	vst v63  }
0x6e: {  	_ =	swait.ge [sflag:s14], $0x1400  }
0x6f: {  	[sflag:s14] =	ssyncset.done $0x0  }
0x70: {  	s24 =	simm.s32 $0x1;
	[sflag:s14] =	ssyncadd.s32 $0xFFFFEC00  }
0x71: {  	[tilespmem:s17], [sflag:$0x1] =	stream.indirect.gather [hbm4b:s1+s16], $0x80, s4, s16, $0xb8;
	[tilespmem:$0x1E800] =	vst v63  }
0x72: {  	_ =	swait.ge [sflag:s24], $0x4000  }
0x73: {  	s0 =	sand.u32 $0x1, s24;
	[sflag:s24] =	ssyncset.done $0x0  }
0x74: {  	p1 =	seq.s32 s0, $0x1;
	[sflag:s24] =	ssyncadd.s32 $0xFFFFC000  }
0x75: {  	[tilespmem:s18], [sflag:$0x2] =	stream.indirect.gather [hbm4b:s1+s16], $0x80, s16, s16, $0xb8;
	[tilespmem:$0x1E800] =	vst v63  }
0x76: {  	s0 =	simm.s32 @p1 $0x2  }
0x77: {  	[spmem:s2] =	stream.indirect.scatter.add.f32 [tilespmem:s17], [sflag:$0x3], $0x80, s15, s16, $0xb8;
	[tilespmem:$0x1E800] =	vst v63  }
0x78: {  	_ =	swait.ge @p1 [sflag:s0], $0x4000  }
0x79: {  	p0 =	por p1, p1;
	[sflag:s0] =	ssyncset.done @p1 $0x0  }
0x7a: {  	[sflag:s0] =	ssyncadd.s32 @p0 $0xFFFFC000;
	s0 =	simm.s32 @p0 $0x3  }
0x7b: {  	_ =	swait.ge @p0 [sflag:s0], $0x4000  }
0x7c: {  	s26 =	simm.s32 $0x100;
	[sflag:s0] =	ssyncset.done @p0 $0x0  }
0x7d: {  	s3 =	simm.s32 @p0 $0x2800;
	[sflag:s0] =	ssyncadd.s32 @p0 $0xFFFFC000;
	s0 =	simm.s32 @p0 $0x80  }
0x7e: {  	[tilespmem:s3], [sflag:$0x1] =	stream.indirect.gather @p0 [hbm4b:s1+s0], $0x80, s26, s0, $0xb8;
	[tilespmem:$0x1E800] =	vst v63  }
0x7f: {  	s28 =	simm.s32 $0x1480;
	s5 =	simm.s32 @!p0 $0x1;
	s3 =	simm.s32 @p0 $0x6800  }
0x80: {  	[spmem:s2] =	stream.indirect.scatter.add.f32 @p0 [tilespmem:s3], [sflag:$0x4], $0x80, s28, s0, $0xb8;
	[tilespmem:$0x1E800] =	vst v63  }
0x81: {  	_ =	swait.ge @!p0 [sflag:s5], $0x4000  }
0x82: {  	s29 =	simm.s32 $0x3;
	s25 =	simm.s32 $0x2;
	[sflag:s5] =	ssyncset.done @!p0 $0x0  }
0x83: {  	s30 =	simm.s32 @!p1 $0x2800;
	[sflag:s5] =	ssyncadd.s32 @!p0 $0xFFFFC000;
	s5 =	simm.s32 @!p0 $0x4  }
0x84: {  	s31 =	simm.s32 @!p0 $0x80;
	s24 =	simm.s32 $0x180;
	_ =	swait.ge @!p0 [sflag:s5], $0x4000  }
0x85: {  	s0 =	simm.s32 @!p0 $0x6800;
	s3 =	sand.u32 $0x1, s25;
	[sflag:s5] =	ssyncset.done @!p0 $0x0  }
0x86: {  	s25 =	simm.s32 $0x1500;
	p1 =	seq.s32 s3, $0x1;
	[sflag:s5] =	ssyncadd.s32 @!p0 $0xFFFFC000  }
.LBB2_4:
0x87: {  	[tilespmem:s0], [sflag:$0x2] =	stream.indirect.gather @!p0 [hbm4b:s1+s31], $0x80, s26, s31, $0xb8;
	[tilespmem:$0x1E800] =	vst v63  }
0x88: {  	s3 =	smov.u32 s29;
	s26 =	smov.u32 s24  }
0x89: {  	s29 =	sadd.s32 $0x1, s29;
	s0 =	simm.s32 @p1 $0x2;
	s5 =	simm.s32 @!p1 $0x2800  }
0x8a: {  	[spmem:s2] =	stream.indirect.scatter.add.f32 @!p0 [tilespmem:s30], [sflag:$0x3], $0x80, s28, s31, $0xb8;
	[tilespmem:$0x1E800] =	vst v63  }
0x8b: {  	p2 =	sne.s32 s29, $0x27;
	s30 =	smov.u32 s5;
	_ =	swait.ge @p1 [sflag:s0], $0x4000  }
0x8c: {  	s28 =	smov.u32 s25;
	p0 =	por p1, p1;
	[sflag:s0] =	ssyncset.done @p1 $0x0  }
0x8d: {  	[sflag:s0] =	ssyncadd.s32 @p0 $0xFFFFC000;
	s0 =	simm.s32 @p0 $0x3  }
0x8e: {  	_ =	swait.ge @p0 [sflag:s0], $0x4000  }
0x8f: {  	[sflag:s0] =	ssyncset.done @p0 $0x0  }
0x90: {  	s5 =	simm.s32 @p0 $0x2800;
	[sflag:s0] =	ssyncadd.s32 @p0 $0xFFFFC000;
	s0 =	simm.s32 @p0 $0x80  }
0x91: {  	[tilespmem:s5], [sflag:$0x1] =	stream.indirect.gather @p0 [hbm4b:s1+s0], $0x80, s24, s0, $0xb8;
	[tilespmem:$0x1E800] =	vst v63  }
0x92: {  	s31 =	simm.s32 @!p0 $0x1;
	s5 =	simm.s32 @p0 $0x6800  }
0x93: {  	[spmem:s2] =	stream.indirect.scatter.add.f32 @p0 [tilespmem:s5], [sflag:$0x4], $0x80, s25, s0, $0xb8;
	[tilespmem:$0x1E800] =	vst v63  }
0x94: {  	_ =	swait.ge @!p0 [sflag:s31], $0x4000  }
.Ltmp1:
0x95: {  	[sflag:s31] =	ssyncset.done @!p0 $0x0;
	(pc) =	sbr.rel @p2 .LBB2_4-.Ltmp1, $4  }
0x96: {  	s5 =	simm.s32 @!p0 $0x4;
	[sflag:s31] =	ssyncadd.s32 @!p0 $0xFFFFC000  }
0x97: {  	s24 =	sadd.s32 $0x80, s24;
	s0 =	simm.s32 @!p0 $0x6800;
	_ =	swait.ge @!p0 [sflag:s5], $0x4000  }
0x98: {  	s3 =	sand.u32 $0x1, s3;
	s31 =	simm.s32 @!p0 $0x80;
	[sflag:s5] =	ssyncset.done @!p0 $0x0  }
0x99: {  	p1 =	seq.s32 s3, $0x1;
	s25 =	sadd.s32 $0x80, s25;
	[sflag:s5] =	ssyncadd.s32 @!p0 $0xFFFFC000  }
0x9a: {  	[tilespmem:s0], [sflag:$0x2] =	stream.indirect.gather @!p0 [hbm4b:s1+s31], $0x80, s26, s31, $0xb8;
	[tilespmem:$0x1E800] =	vst v63  }
0x9b: {  	s0 =	simm.s32 @p1 $0x2  }
0x9c: {  	[spmem:s2] =	stream.indirect.scatter.add.f32 @!p0 [tilespmem:s30], [sflag:$0x3], $0x80, s28, s31, $0xb8;
	[tilespmem:$0x1E800] =	vst v63  }
0x9d: {  	_ =	swait.ge @p1 [sflag:s0], $0x4000  }
0x9e: {  	p0 =	por p1, p1;
	[sflag:s0] =	ssyncset.done @p1 $0x0  }
0x9f: {  	[sflag:s0] =	ssyncadd.s32 @p0 $0xFFFFC000;
	s0 =	simm.s32 @p0 $0x3  }
0xa0: {  	_ =	swait.ge @p0 [sflag:s0], $0x4000  }
0xa1: {  	[sflag:s0] =	ssyncset.done @p0 $0x0  }
0xa2: {  	s3 =	simm.s32 @p0 $0x2800;
	[sflag:s0] =	ssyncadd.s32 @p0 $0xFFFFC000;
	s0 =	simm.s32 @p0 $0x80  }
0xa3: {  	[tilespmem:s3], [sflag:$0x1] =	stream.indirect.gather @p0 [hbm4b:s1+s0], $0x80, s24, s0, $0xb8;
	[tilespmem:$0x1E800] =	vst v63  }
0xa4: {  	s5 =	simm.s32 @!p0 $0x1;
	s3 =	simm.s32 @p0 $0x6800  }
0xa5: {  	[spmem:s2] =	stream.indirect.scatter.add.f32 @p0 [tilespmem:s3], [sflag:$0x4], $0x80, s25, s0, $0xb8;
	[tilespmem:$0x1E800] =	vst v63  }
0xa6: {  	_ =	swait.ge @!p0 [sflag:s5], $0x4000  }
0xa7: {  	[sflag:s5] =	ssyncset.done @!p0 $0x0  }
0xa8: {  	s0 =	simm.s32 @!p0 $0x4;
	[sflag:s5] =	ssyncadd.s32 @!p0 $0xFFFFC000  }
0xa9: {  	_ =	swait.ge @!p0 [sflag:s0], $0x4000  }
0xaa: {  	[sflag:s0] =	ssyncset.done @!p0 $0x0  }
0xab: {  	s3 =	simm.s32 @!p0 $0x6800;
	s5 =	simm.s32 @!p0 $0x80;
	[sflag:s0] =	ssyncadd.s32 @!p0 $0xFFFFC000  }
0xac: {  	[tilespmem:s3], [sflag:$0x2] =	stream.indirect.gather @!p0 [hbm4b:s1+s5], $0x80, s24, s5, $0xb8;
	[tilespmem:$0x1E800] =	vst v63  }
0xad: {  	s0 =	simm.s32 @!p1 $0x2800  }
0xae: {  	[spmem:s2] =	stream.indirect.scatter.add.f32 @!p0 [tilespmem:s0], [sflag:$0x3], $0x80, s25, s5, $0xb8;
	[tilespmem:$0x1E800] =	vst v63  }
0xaf: {  	_ =	swait.ge [sflag:s19], $0x4000  }
0xb0: {  	[sflag:s19] =	ssyncset.done $0x0  }
0xb1: {  	[sflag:s19] =	ssyncadd.s32 $0xFFFFC000  }
0xb2: {  	_ =	swait.ge [sflag:s20], $0x4000  }
0xb3: {  	[sflag:s20] =	ssyncset.done $0x0  }
0xb4: {  	[sflag:s20] =	ssyncadd.s32 $0xFFFFC000  }
0xb5: {  	[spmem:s2] =	stream.indirect.scatter.add.f32 [tilespmem:s18], [sflag:$0x4], $0x80, s21, s16, $0xb8;
	[tilespmem:$0x1E800] =	vst v63  }
0xb6: {  	_ =	swait.ge [sflag:s22], $0x4000  }
0xb7: {  	s23 =	sadd.s32 $0x1, s23;
	[sflag:s22] =	ssyncset.done $0x0  }
0xb8: {  	p0 =	sne.s32 s23, s12;
	[sflag:s22] =	ssyncadd.s32 $0xFFFFC000  }
.Ltmp2:
0xb9: {  	[bflag:$0x0] =	sbarrier.arrive $0xFFFF;
	(pc) =	sbr.rel @p0 .LBB2_1-.Ltmp2, $4  }
0xba: {  	[hbm:s11], [sflag:s6] =	dma.local [spmem:s13], $0x2800  }
0xbb: {  	_ =	swait.ge [sflag:s14], $0x2800  }
0xbc: {  	[sflag:s14] =	ssyncset.done $0x0  }
0xbd: {  	[sflag:s14] =	ssyncadd.s32 $0xFFFFD800  }
0xbe: {  	_ =	sfence.sel $0x180000  }
0xbf: {  	[bflag:$0x0] =	sbarrier.arrive $0xFFFF  }
0xc0: {  	_ =	strace $0x9000004A  }
0xc1: {  	s0 =	stileid.u32;
	[bflag:$0x2] =	sbarrier.arrive $0xFFFF  }
0xc2: {  	p0 =	sne.s32 s0, $0x0;
	s0 =	rddreg [dreg:$0x3]  }
0xc3: {  	s0 =	sadd.s32 @!p0 $0x100000, s0  }
0xc4: {  	[sflag:s0] =	ssyncadd.tile.s32 @!p0 $0x1;
	_ =	shalt  }
.Lfunc_end2:
_tile_overlayer_lowered:
.L_overlay_start_2:
0xc5: {  	(tag) =	ssettag $0x2  }
0xc6: {  	s0 =	rddreg [dreg:$0x0];
	s2 =	stileid.u32  }
0xc7: {  	s1 =	rddreg [dreg:$0x1];
	p0 =	sne.s32 s2, $0x0  }
0xc8: {  	s3 =	rddreg [dreg:$0x2];
	[bflag:$0x3] =	sbarrier.arrive $0xFFFF;
	s2 =	simm.s32 @!p0 $0x1C05  }
0xc9: {  	[timem:s3], [sflag:s2] =	dma.local @!p0 [hbm:s0], s1  }
0xca: {  	s0 =	simm.s32 @!p0 $0x5  }
0xcb: {  	_ =	swait.ge @!p0 [sflag:s0], s1  }
0xcc: {  	s1 =	ssub.s32 @!p0 $0x0, s1;
	[sflag:s0] =	ssyncset.done @!p0 $0x0  }
0xcd: {  	[sflag:s0] =	ssyncadd.s32 @!p0 s1  }
0xce: {  	[bflag:$0x3] =	sbarrier.arrive $0xFFFF  }
0xcf: {  	_ =	shalt  }

</sc_bundles>
